<compile_context>
chip_gen: v7x
topology: tpu7x:2x2x1
jax: 0.10.2.dev20260603
libtpu: 0.0.44.dev20260713+nightly
codegen_flags: <defaults>
</compile_context>

<pallas_src>
import jax
import jax.numpy as jnp
from jax import lax
from jax.experimental import pallas as pl
from jax.experimental.pallas import tpu as pltpu
from jax.experimental.pallas import tpu_sc as plsc

N = 10000
E = 160000
D = 256
HALF = 128
ROWS = 1000
NBLK = N // ROWS

NC = 2
NS = 16
CH = 48
NCH = 210
EPT = NCH * CH
E_PAD = NS * EPT
STRIPE = 632
TBL = NS * STRIPE
STRIPE_LAST = N - (NS - 1) * STRIPE


def _sc_agg(xh0, xh1, src3, dst3, zeros_h, zo16_h, with_cnt):
    mesh = plsc.VectorSubcoreMesh(core_axis_name="c", subcore_axis_name="s")

    def body(*refs):
        if with_cnt:
            (xh0_r, xh1_r, src_h, dst_h, zr_h, zo16_r, agg_out, cnt_out,
             agg_sh, src_v, dst_v, rows_v, rows_b, sem, semb,
             cnt_sh, ones_v, semc) = refs
        else:
            (xh0_r, xh1_r, src_h, dst_h, zr_h, zo16_r, agg_out,
             agg_sh, src_v, dst_v, rows_v, rows_b, sem, semb) = refs
        cid = lax.axis_index("c")
        sid = lax.axis_index("s")
        base = sid * STRIPE

        pltpu.sync_copy(src_h.at[sid], src_v)
        pltpu.sync_copy(dst_h.at[sid], dst_v)

        @pl.when(cid == 0)
        def _():
            pltpu.async_copy(xh0_r.at[src_v.at[0]], rows_v, sem)
            pltpu.async_copy(xh0_r.at[src_v.at[1]], rows_b, semb)

        @pl.when(cid == 1)
        def _():
            pltpu.async_copy(xh1_r.at[src_v.at[0]], rows_v, sem)
            pltpu.async_copy(xh1_r.at[src_v.at[1]], rows_b, semb)
        pltpu.sync_copy(zr_h, agg_sh.at[pl.ds(base, STRIPE)])
        if with_cnt:
            pltpu.sync_copy(zo16_r.at[pl.ds(0, STRIPE)],
                            cnt_sh.at[pl.ds(base, STRIPE)])
            pltpu.sync_copy(zo16_r.at[pl.ds(STRIPE, CH)], ones_v)

        def run(x_half, count_even):
            def scat(j, buf, count):
                if count:
                    ac = pltpu.async_copy(ones_v, cnt_sh.at[dst_v.at[j]],
                                          semc, add=True)
                pltpu.sync_copy(buf, agg_sh.at[dst_v.at[j]], add=True)
                if count:
                    ac.wait()

            def pair(k, carry):
                j0 = 2 * k

                @pl.when(k > 0)
                def _():
                    pltpu.async_copy(x_half.at[src_v.at[j0 + 1]],
                                     rows_b, semb)
                pltpu.make_async_copy(x_half.at[src_v.at[j0]],
                                      rows_v, sem).wait()
                scat(j0, rows_v, with_cnt and count_even)

                @pl.when(j0 + 2 < NCH)
                def _():
                    pltpu.async_copy(x_half.at[src_v.at[j0 + 2]],
                                     rows_v, sem)
                pltpu.make_async_copy(x_half.at[src_v.at[j0 + 1]],
                                      rows_b, semb).wait()
                scat(j0 + 1, rows_b, with_cnt and not count_even)
                return carry
            lax.fori_loop(0, NCH // 2, pair, 0)

        plsc.subcore_barrier()

        @pl.when(cid == 0)
        def _():
            run(xh0_r, True)

        @pl.when(cid == 1)
        def _():
            run(xh1_r, False)

        plsc.subcore_barrier()

        @pl.when(sid < NS - 1)
        def _():
            pltpu.sync_copy(agg_sh.at[pl.ds(base, STRIPE)],
                            agg_out.at[cid, pl.ds(base, STRIPE)])

        @pl.when(sid == NS - 1)
        def _():
            pltpu.sync_copy(agg_sh.at[pl.ds((NS - 1) * STRIPE, STRIPE_LAST)],
                            agg_out.at[cid, pl.ds((NS - 1) * STRIPE,
                                                  STRIPE_LAST)])

        if with_cnt:
            @pl.when(sid < NS - 1)
            def _():
                pltpu.sync_copy(cnt_sh.at[pl.ds(base, STRIPE)],
                                cnt_out.at[cid, pl.ds(base, STRIPE)])

            @pl.when(sid == NS - 1)
            def _():
                pltpu.sync_copy(
                    cnt_sh.at[pl.ds((NS - 1) * STRIPE, STRIPE_LAST)],
                    cnt_out.at[cid, pl.ds((NS - 1) * STRIPE, STRIPE_LAST)])

    out_type = [jax.ShapeDtypeStruct((NC, N, HALF), jnp.float32)]
    scratch = [
        pltpu.VMEM_SHARED((TBL, HALF), jnp.float32),
        pltpu.VMEM((NCH, CH), jnp.int32),
        pltpu.VMEM((NCH, CH), jnp.int32),
        pltpu.VMEM((CH, HALF), jnp.float32),
        pltpu.VMEM((CH, HALF), jnp.float32),
        pltpu.SemaphoreType.DMA,
        pltpu.SemaphoreType.DMA,
    ]
    if with_cnt:
        out_type.append(jax.ShapeDtypeStruct((NC, N, 8), jnp.float32))
        scratch += [
            pltpu.VMEM_SHARED((TBL, 8), jnp.float32),
            pltpu.VMEM((CH, 8), jnp.float32),
            pltpu.SemaphoreType.DMA,
        ]
    f = pl.kernel(body, out_type=out_type, mesh=mesh, scratch_types=scratch,
                  compiler_params=pltpu.CompilerParams(
                      use_tc_tiling_on_sc=False))
    return f(xh0, xh1, src3, dst3, zeros_h, zo16_h)


def _l1_body(agg3, cnt, x, wl, b, wr, hL_ref, hR_ref, stats_ref):
    i = pl.program_id(0)
    a = agg3[...]
    agg = jnp.concatenate([a[0], a[1]], axis=1)
    cc = cnt[...]
    c = jnp.maximum(cc[0, :, 0:1] + cc[1, :, 0:1], 1.0)
    mean = agg / c
    o = (jnp.dot(mean, wl[...], preferred_element_type=jnp.float32)
         + jnp.dot(x[...], wr[...], preferred_element_type=jnp.float32)
         + b[...])
    nrm = jnp.sqrt(jnp.sum(o * o, axis=1, keepdims=True))
    o = o / jnp.maximum(nrm, 1e-12)
    h = jnp.maximum(o, 0.0)
    hL_ref[...] = h[:, :HALF]
    hR_ref[...] = h[:, HALF:]
    st = jnp.concatenate([jnp.sum(h, axis=0, keepdims=True),
                          jnp.sum(h * h, axis=0, keepdims=True)], axis=0)

    @pl.when(i == 0)
    def _():
        stats_ref[...] = st

    @pl.when(i > 0)
    def _():
        stats_ref[...] += st


def _layer1_dense(agg3, cnt, x, W_lT, b_l, W_rT):
    return pl.pallas_call(
        _l1_body,
        grid=(NBLK,),
        in_specs=[
            pl.BlockSpec((NC, ROWS, HALF), lambda i: (0, i, 0)),
            pl.BlockSpec((NC, ROWS, 8), lambda i: (0, i, 0)),
            pl.BlockSpec((ROWS, D), lambda i: (i, 0)),
            pl.BlockSpec((D, D), lambda i: (0, 0)),
            pl.BlockSpec((1, D), lambda i: (0, 0)),
            pl.BlockSpec((D, D), lambda i: (0, 0)),
        ],
        out_specs=[
            pl.BlockSpec((ROWS, HALF), lambda i: (i, 0)),
            pl.BlockSpec((ROWS, HALF), lambda i: (i, 0)),
            pl.BlockSpec((2, D), lambda i: (0, 0)),
        ],
        out_shape=[
            jax.ShapeDtypeStruct((N, HALF), jnp.float32),
            jax.ShapeDtypeStruct((N, HALF), jnp.float32),
            jax.ShapeDtypeStruct((2, D), jnp.float32),
        ],
    )(agg3, cnt, x, W_lT, b_l, W_rT)


def _l2_body(agg3, cnt, hL, hR, wl, b, wr, offs, out_ref):
    a = agg3[...]
    agg = jnp.concatenate([a[0], a[1]], axis=1)
    cc = cnt[...]
    c0 = cc[0, :, 0:1] + cc[1, :, 0:1]
    mask = (c0 > 0.0).astype(jnp.float32)
    mean = agg / jnp.maximum(c0, 1.0) + mask * offs[...]
    h = jnp.concatenate([hL[...], hR[...]], axis=1) + offs[...]
    o = (jnp.dot(mean, wl[...], preferred_element_type=jnp.float32)
         + jnp.dot(h, wr[...], preferred_element_type=jnp.float32)
         + b[...])
    nrm = jnp.sqrt(jnp.sum(o * o, axis=1, keepdims=True))
    out_ref[...] = o / jnp.maximum(nrm, 1e-12)


def _layer2_dense(agg3, cnt, hL, hR, W_lT, b_l, W_rT, offs):
    return pl.pallas_call(
        _l2_body,
        grid=(NBLK,),
        in_specs=[
            pl.BlockSpec((NC, ROWS, HALF), lambda i: (0, i, 0)),
            pl.BlockSpec((NC, ROWS, 8), lambda i: (0, i, 0)),
            pl.BlockSpec((ROWS, HALF), lambda i: (i, 0)),
            pl.BlockSpec((ROWS, HALF), lambda i: (i, 0)),
            pl.BlockSpec((D, D), lambda i: (0, 0)),
            pl.BlockSpec((1, D), lambda i: (0, 0)),
            pl.BlockSpec((D, D), lambda i: (0, 0)),
            pl.BlockSpec((1, D), lambda i: (0, 0)),
        ],
        out_specs=pl.BlockSpec((ROWS, D), lambda i: (i, 0)),
        out_shape=jax.ShapeDtypeStruct((N, D), jnp.float32),
    )(agg3, cnt, hL, hR, W_lT, b_l, W_rT, offs)


def kernel(x, edge_index, W1_l, b1_l, W1_r, gamma, beta, W2_l, b2_l, W2_r):
    src = edge_index[0].astype(jnp.int32)
    dst = edge_index[1].astype(jnp.int32)
    pad = E_PAD - E
    src3 = jnp.concatenate([src, jnp.zeros((pad,), jnp.int32)]
                           ).reshape(NS, NCH, CH)
    dst3 = jnp.concatenate([dst, jnp.full((pad,), N, jnp.int32)]
                           ).reshape(NS, NCH, CH)
    xL, xR = x[:, :HALF], x[:, HALF:]
    zeros_h = jnp.zeros((STRIPE, HALF), jnp.float32)
    zo8 = jnp.concatenate([jnp.zeros((STRIPE, 8), jnp.float32),
                           jnp.ones((CH, 8), jnp.float32)])

    agg1, cnt = _sc_agg(xL, xR, src3, dst3, zeros_h, zo8, with_cnt=True)
    hL, hR, stats = _layer1_dense(agg1, cnt, x, W1_l.T, b1_l[None, :],
                                  W1_r.T)
    mu = stats[0:1, :] / N
    var = stats[1:2, :] / N - mu * mu
    scale = gamma[None, :] * jax.lax.rsqrt(var + 1e-5)
    offs = beta[None, :] / scale - mu
    W2lT = scale[0][:, None] * W2_l.T
    W2rT = scale[0][:, None] * W2_r.T
    (agg2,) = _sc_agg(hL, hR, src3, dst3, zeros_h, zo8, with_cnt=False)
    out = _layer2_dense(agg2, cnt, hL, hR, W2lT, b2_l[None, :], W2rT, offs)
    return out

# --- scband reference (transcript-rebuilt; emitter-appended) ---
"""Pipeline reference for scband-sage-encoder-43593918054556 (READ-ONLY COPY).

The authoritative reference and input builder live on the scoring server;
editing this copy changes nothing except your own understanding.
"""

import jax, jax.numpy as jnp
import numpy as np

N = 10000
E = 160000
D_IN = 256
HID = 256


def _glorot(key, shape):
    fan_in, fan_out = shape[1], shape[0]
    lim = jnp.sqrt(6.0 / (fan_in + fan_out))
    return jax.random.uniform(key, shape, minval=-lim, maxval=lim, dtype=jnp.float32)


def setup_inputs(seed: int = 0) -> dict:
    key = jax.random.key(seed)
    ks = jax.random.split(key, 10)
    x = jax.random.normal(ks[0], (N, D_IN), dtype=jnp.float32)
    edge_index = jax.random.randint(ks[1], (2, E), 0, N, dtype=jnp.int64)
    W1_l = _glorot(ks[2], (HID, D_IN))
    b1_l = jnp.zeros((HID,), dtype=jnp.float32)
    W1_r = _glorot(ks[3], (HID, D_IN))
    gamma = jnp.ones((HID,), dtype=jnp.float32)
    beta = jnp.zeros((HID,), dtype=jnp.float32)
    W2_l = _glorot(ks[4], (HID, HID))
    b2_l = jnp.zeros((HID,), dtype=jnp.float32)
    W2_r = _glorot(ks[5], (HID, HID))
    return {"x": x, "edge_index": edge_index, "W1_l": W1_l, "b1_l": b1_l,
            "W1_r": W1_r, "gamma": gamma, "beta": beta, "W2_l": W2_l,
            "b2_l": b2_l, "W2_r": W2_r}


def _sage_conv(x, edge_index, W_l, b_l, W_r):
    # PyG SAGEConv, aggr='mean', normalize=True
    src = edge_index[0]
    dst = edge_index[1]
    msgs = jnp.take(x, src, axis=0)                      # gather x_j
    agg = jax.ops.segment_sum(msgs, dst, num_segments=x.shape[0])
    cnt = jax.ops.segment_sum(jnp.ones((msgs.shape[0], 1), dtype=x.dtype),
                              dst, num_segments=x.shape[0])
    mean = agg / jnp.maximum(cnt, 1.0)
    out = mean @ W_l.T + b_l + x @ W_r.T
    nrm = jnp.linalg.norm(out, ord=2, axis=-1, keepdims=True)
    return out / jnp.maximum(nrm, 1e-12)


def _batchnorm1d(h, gamma, beta, eps=1e-5):
    mu = jnp.mean(h, axis=0, keepdims=True)
    var = jnp.var(h, axis=0, keepdims=True)  # biased, matches torch BN normalization
    return (h - mu) / jnp.sqrt(var + eps) * gamma + beta


def reference(x, edge_index, W1_l, b1_l, W1_r, gamma, beta, W2_l, b2_l, W2_r):
    h = _sage_conv(x, edge_index, W1_l, b1_l, W1_r)
    h = jax.nn.relu(h)
    h = _batchnorm1d(h, gamma, beta)
    # dropout is identity in eval / reference mode
    h = _sage_conv(h, edge_index, W2_l, b2_l, W2_r)
    return h

if __name__ == "__main__":
    import jax
    _d = setup_inputs()
    print(jax.jit(kernel)(*tuple(_d.values())))

</pallas_src>

<mosaic_0001>
#map = affine_map<(d0, d1) -> (0, 0)>
#map1 = affine_map<(d0, d1) -> (0, 0, 0)>
module attributes {stable_mosaic.version = 14 : i64} {
  func.func @body(%arg0: i32, %arg1: i32, %arg2: memref<10000x128xf32, #tpu.memory_space<hbm>>, %arg3: memref<10000x128xf32, #tpu.memory_space<hbm>>, %arg4: memref<16x210x48xi32, #tpu.memory_space<hbm>>, %arg5: memref<16x210x48xi32, #tpu.memory_space<hbm>>, %arg6: memref<632x128xf32, #tpu.memory_space<hbm>>, %arg7: memref<680x8xf32, #tpu.memory_space<hbm>>, %arg8: memref<2x10000x128xf32, #tpu.memory_space<hbm>>, %arg9: memref<2x10000x8xf32, #tpu.memory_space<hbm>>, %arg10: memref<10112x128xf32, #tpu.memory_space<vmem_shared>>, %arg11: memref<210x48xi32, #tpu.memory_space<vmem>>, %arg12: memref<210x48xi32, #tpu.memory_space<vmem>>, %arg13: memref<48x128xf32, #tpu.memory_space<vmem>>, %arg14: memref<48x128xf32, #tpu.memory_space<vmem>>, %arg15: memref<!tpu.dma_semaphore, #tpu.memory_space<semaphore_mem>>, %arg16: memref<!tpu.dma_semaphore, #tpu.memory_space<semaphore_mem>>, %arg17: memref<10112x8xf32, #tpu.memory_space<vmem_shared>>, %arg18: memref<48x8xf32, #tpu.memory_space<vmem>>, %arg19: memref<!tpu.dma_semaphore, #tpu.memory_space<semaphore_mem>>) attributes {dimension_semantics = [#tpu.dimension_semantics<core_parallel>, #tpu.dimension_semantics<subcore_parallel>], iteration_bounds = array<i64: 2, 16>, scalar_prefetch = 0 : i64, scratch_operands = 10 : i64, tpu.core_type = #tpu.core_type<sc_vector_subcore>, window_params = [{transform_indices = #map}, {transform_indices = #map}, {transform_indices = #map1}, {transform_indices = #map1}, {transform_indices = #map}, {transform_indices = #map}, {transform_indices = #map1}, {transform_indices = #map1}]} {
    %mul3A = arith.constant 632 : i32
    %mul3A_0 = arith.muli %arg1, %mul3A : i32
    "tpu.region"() ({
      %run_scoped3A = tpu.sem_alloc : memref<!tpu.dma_semaphore, #tpu.memory_space<semaphore_mem>>
      %dma_start3A = arith.constant 0 : i32
      %dma_start3A_38 = arith.constant 0 : i32
      %dma_start3A_39 = tpu.memref_slice %arg4[%arg1, %dma_start3A, %dma_start3A_38] : memref<16x210x48xi32, #tpu.memory_space<hbm>> -> memref<1x210x48xi32, #tpu.memory_space<hbm>>
      %dma_start3A_40 = tpu.memref_squeeze %dma_start3A_39 : memref<1x210x48xi32, #tpu.memory_space<hbm>> -> memref<210x48xi32, #tpu.memory_space<hbm>>
      %dma_start3A_41 = arith.constant 0 : i32
      %dma_start3A_42 = arith.constant 0 : i32
      %dma_start3A_43 = tpu.memref_slice %arg4[%arg1, %dma_start3A_41, %dma_start3A_42] : memref<16x210x48xi32, #tpu.memory_space<hbm>> -> memref<1x210x48xi32, #tpu.memory_space<hbm>>
      %dma_start3A_44 = tpu.memref_squeeze %dma_start3A_43 : memref<1x210x48xi32, #tpu.memory_space<hbm>> -> memref<210x48xi32, #tpu.memory_space<hbm>>
      tpu.enqueue_dma source(%dma_start3A_44 : memref<210x48xi32, #tpu.memory_space<hbm>>) target(%arg11 : memref<210x48xi32, #tpu.memory_space<vmem>>) target_semaphore(%run_scoped3A : memref<!tpu.dma_semaphore, #tpu.memory_space<semaphore_mem>>)
      %dma_wait3A = arith.constant 0 : i32
      %dma_wait3A_45 = arith.constant 0 : i32
      %dma_wait3A_46 = tpu.memref_slice %arg4[%arg1, %dma_wait3A, %dma_wait3A_45] : memref<16x210x48xi32, #tpu.memory_space<hbm>> -> memref<1x210x48xi32, #tpu.memory_space<hbm>>
      %dma_wait3A_47 = tpu.memref_squeeze %dma_wait3A_46 : memref<1x210x48xi32, #tpu.memory_space<hbm>> -> memref<210x48xi32, #tpu.memory_space<hbm>>
      %dma_wait3A_48 = arith.constant 0 : i32
      %dma_wait3A_49 = arith.constant 0 : i32
      %dma_wait3A_50 = tpu.memref_slice %arg4[%arg1, %dma_wait3A_48, %dma_wait3A_49] : memref<16x210x48xi32, #tpu.memory_space<hbm>> -> memref<1x210x48xi32, #tpu.memory_space<hbm>>
      %dma_wait3A_51 = tpu.memref_squeeze %dma_wait3A_50 : memref<1x210x48xi32, #tpu.memory_space<hbm>> -> memref<210x48xi32, #tpu.memory_space<hbm>>
      tpu.wait_dma2 semaphore(%run_scoped3A : memref<!tpu.dma_semaphore, #tpu.memory_space<semaphore_mem>>) src(%dma_wait3A_51 : memref<210x48xi32, #tpu.memory_space<hbm>>) dst(%arg11 : memref<210x48xi32, #tpu.memory_space<vmem>>)
      tpu.yield
    }) : () -> ()
    "tpu.region"() ({
      %run_scoped3A = tpu.sem_alloc : memref<!tpu.dma_semaphore, #tpu.memory_space<semaphore_mem>>
      %dma_start3A = arith.constant 0 : i32
      %dma_start3A_38 = arith.constant 0 : i32
      %dma_start3A_39 = tpu.memref_slice %arg5[%arg1, %dma_start3A, %dma_start3A_38] : memref<16x210x48xi32, #tpu.memory_space<hbm>> -> memref<1x210x48xi32, #tpu.memory_space<hbm>>
      %dma_start3A_40 = tpu.memref_squeeze %dma_start3A_39 : memref<1x210x48xi32, #tpu.memory_space<hbm>> -> memref<210x48xi32, #tpu.memory_space<hbm>>
      %dma_start3A_41 = arith.constant 0 : i32
      %dma_start3A_42 = arith.constant 0 : i32
      %dma_start3A_43 = tpu.memref_slice %arg5[%arg1, %dma_start3A_41, %dma_start3A_42] : memref<16x210x48xi32, #tpu.memory_space<hbm>> -> memref<1x210x48xi32, #tpu.memory_space<hbm>>
      %dma_start3A_44 = tpu.memref_squeeze %dma_start3A_43 : memref<1x210x48xi32, #tpu.memory_space<hbm>> -> memref<210x48xi32, #tpu.memory_space<hbm>>
      tpu.enqueue_dma source(%dma_start3A_44 : memref<210x48xi32, #tpu.memory_space<hbm>>) target(%arg12 : memref<210x48xi32, #tpu.memory_space<vmem>>) target_semaphore(%run_scoped3A : memref<!tpu.dma_semaphore, #tpu.memory_space<semaphore_mem>>)
      %dma_wait3A = arith.constant 0 : i32
      %dma_wait3A_45 = arith.constant 0 : i32
      %dma_wait3A_46 = tpu.memref_slice %arg5[%arg1, %dma_wait3A, %dma_wait3A_45] : memref<16x210x48xi32, #tpu.memory_space<hbm>> -> memref<1x210x48xi32, #tpu.memory_space<hbm>>
      %dma_wait3A_47 = tpu.memref_squeeze %dma_wait3A_46 : memref<1x210x48xi32, #tpu.memory_space<hbm>> -> memref<210x48xi32, #tpu.memory_space<hbm>>
      %dma_wait3A_48 = arith.constant 0 : i32
      %dma_wait3A_49 = arith.constant 0 : i32
      %dma_wait3A_50 = tpu.memref_slice %arg5[%arg1, %dma_wait3A_48, %dma_wait3A_49] : memref<16x210x48xi32, #tpu.memory_space<hbm>> -> memref<1x210x48xi32, #tpu.memory_space<hbm>>
      %dma_wait3A_51 = tpu.memref_squeeze %dma_wait3A_50 : memref<1x210x48xi32, #tpu.memory_space<hbm>> -> memref<210x48xi32, #tpu.memory_space<hbm>>
      tpu.wait_dma2 semaphore(%run_scoped3A : memref<!tpu.dma_semaphore, #tpu.memory_space<semaphore_mem>>) src(%dma_wait3A_51 : memref<210x48xi32, #tpu.memory_space<hbm>>) dst(%arg12 : memref<210x48xi32, #tpu.memory_space<vmem>>)
      tpu.yield
    }) : () -> ()
    %eq3A = arith.constant 0 : i32
    %eq3A_1 = arith.cmpi eq, %arg0, %eq3A : i32
    %convert_element_type3A = arith.extui %eq3A_1 : i1 to i32
    %cond3A = arith.constant 0 : i32
    %cond3A_2 = arith.cmpi ne, %convert_element_type3A, %cond3A : i32
    scf.if %cond3A_2 {
      %dma_start3A = arith.constant 0 : i32
      %dma_start3A_38 = arith.constant 0 : i32
      %dma_start3A_39 = tpu.memref_slice %arg11[%dma_start3A, %dma_start3A_38] : memref<210x48xi32, #tpu.memory_space<vmem>> -> memref<1x48xi32, #tpu.memory_space<vmem>>
      %dma_start3A_40 = tpu.memref_squeeze %dma_start3A_39 : memref<1x48xi32, #tpu.memory_space<vmem>> -> memref<48xi32, #tpu.memory_space<vmem>>
      %dma_start3A_41 = arith.constant 0 : i32
      %dma_start3A_42 = arith.constant 0 : i32
      %dma_start3A_43 = tpu.memref_slice %arg2[%dma_start3A_41, %dma_start3A_42] : memref<10000x128xf32, #tpu.memory_space<hbm>> -> memref<10000x128xf32, #tpu.memory_space<hbm>>
      tpu.enqueue_indirect_dma source(%dma_start3A_43 : memref<10000x128xf32, #tpu.memory_space<hbm>>) target(%arg13 : memref<48x128xf32, #tpu.memory_space<vmem>>) offsets(%dma_start3A_40 : memref<48xi32, #tpu.memory_space<vmem>>) semaphore(%arg15 : memref<!tpu.dma_semaphore, #tpu.memory_space<semaphore_mem>>)
      %dma_start3A_44 = arith.constant 1 : i32
      %dma_start3A_45 = arith.constant 0 : i32
      %dma_start3A_46 = tpu.memref_slice %arg11[%dma_start3A_44, %dma_start3A_45] : memref<210x48xi32, #tpu.memory_space<vmem>> -> memref<1x48xi32, #tpu.memory_space<vmem>>
      %dma_start3A_47 = tpu.memref_squeeze %dma_start3A_46 : memref<1x48xi32, #tpu.memory_space<vmem>> -> memref<48xi32, #tpu.memory_space<vmem>>
      %dma_start3A_48 = arith.constant 0 : i32
      %dma_start3A_49 = arith.constant 0 : i32
      %dma_start3A_50 = tpu.memref_slice %arg2[%dma_start3A_48, %dma_start3A_49] : memref<10000x128xf32, #tpu.memory_space<hbm>> -> memref<10000x128xf32, #tpu.memory_space<hbm>>
      tpu.enqueue_indirect_dma source(%dma_start3A_50 : memref<10000x128xf32, #tpu.memory_space<hbm>>) target(%arg14 : memref<48x128xf32, #tpu.memory_space<vmem>>) offsets(%dma_start3A_47 : memref<48xi32, #tpu.memory_space<vmem>>) semaphore(%arg16 : memref<!tpu.dma_semaphore, #tpu.memory_space<semaphore_mem>>)
    } else {
    }
    %eq3A_3 = arith.constant 1 : i32
    %eq3A_4 = arith.cmpi eq, %arg0, %eq3A_3 : i32
    %convert_element_type3A_5 = arith.extui %eq3A_4 : i1 to i32
    %cond3A_6 = arith.constant 0 : i32
    %cond3A_7 = arith.cmpi ne, %convert_element_type3A_5, %cond3A_6 : i32
    scf.if %cond3A_7 {
      %dma_start3A = arith.constant 0 : i32
      %dma_start3A_38 = arith.constant 0 : i32
      %dma_start3A_39 = tpu.memref_slice %arg11[%dma_start3A, %dma_start3A_38] : memref<210x48xi32, #tpu.memory_space<vmem>> -> memref<1x48xi32, #tpu.memory_space<vmem>>
      %dma_start3A_40 = tpu.memref_squeeze %dma_start3A_39 : memref<1x48xi32, #tpu.memory_space<vmem>> -> memref<48xi32, #tpu.memory_space<vmem>>
      %dma_start3A_41 = arith.constant 0 : i32
      %dma_start3A_42 = arith.constant 0 : i32
      %dma_start3A_43 = tpu.memref_slice %arg3[%dma_start3A_41, %dma_start3A_42] : memref<10000x128xf32, #tpu.memory_space<hbm>> -> memref<10000x128xf32, #tpu.memory_space<hbm>>
      tpu.enqueue_indirect_dma source(%dma_start3A_43 : memref<10000x128xf32, #tpu.memory_space<hbm>>) target(%arg13 : memref<48x128xf32, #tpu.memory_space<vmem>>) offsets(%dma_start3A_40 : memref<48xi32, #tpu.memory_space<vmem>>) semaphore(%arg15 : memref<!tpu.dma_semaphore, #tpu.memory_space<semaphore_mem>>)
      %dma_start3A_44 = arith.constant 1 : i32
      %dma_start3A_45 = arith.constant 0 : i32
      %dma_start3A_46 = tpu.memref_slice %arg11[%dma_start3A_44, %dma_start3A_45] : memref<210x48xi32, #tpu.memory_space<vmem>> -> memref<1x48xi32, #tpu.memory_space<vmem>>
      %dma_start3A_47 = tpu.memref_squeeze %dma_start3A_46 : memref<1x48xi32, #tpu.memory_space<vmem>> -> memref<48xi32, #tpu.memory_space<vmem>>
      %dma_start3A_48 = arith.constant 0 : i32
      %dma_start3A_49 = arith.constant 0 : i32
      %dma_start3A_50 = tpu.memref_slice %arg3[%dma_start3A_48, %dma_start3A_49] : memref<10000x128xf32, #tpu.memory_space<hbm>> -> memref<10000x128xf32, #tpu.memory_space<hbm>>
      tpu.enqueue_indirect_dma source(%dma_start3A_50 : memref<10000x128xf32, #tpu.memory_space<hbm>>) target(%arg14 : memref<48x128xf32, #tpu.memory_space<vmem>>) offsets(%dma_start3A_47 : memref<48xi32, #tpu.memory_space<vmem>>) semaphore(%arg16 : memref<!tpu.dma_semaphore, #tpu.memory_space<semaphore_mem>>)
    } else {
    }
    "tpu.region"() ({
      %run_scoped3A = tpu.sem_alloc : memref<!tpu.dma_semaphore, #tpu.memory_space<semaphore_mem>>
      %dma_start3A = arith.constant 0 : i32
      %dma_start3A_38 = tpu.memref_slice %arg10[%mul3A_0, %dma_start3A] : memref<10112x128xf32, #tpu.memory_space<vmem_shared>> -> memref<632x128xf32, #tpu.memory_space<vmem_shared>>
      tpu.enqueue_dma source(%arg6 : memref<632x128xf32, #tpu.memory_space<hbm>>) target(%dma_start3A_38 : memref<632x128xf32, #tpu.memory_space<vmem_shared>>) target_semaphore(%run_scoped3A : memref<!tpu.dma_semaphore, #tpu.memory_space<semaphore_mem>>)
      %dma_wait3A = arith.constant 0 : i32
      %dma_wait3A_39 = tpu.memref_slice %arg10[%mul3A_0, %dma_wait3A] : memref<10112x128xf32, #tpu.memory_space<vmem_shared>> -> memref<632x128xf32, #tpu.memory_space<vmem_shared>>
      tpu.wait_dma2 semaphore(%run_scoped3A : memref<!tpu.dma_semaphore, #tpu.memory_space<semaphore_mem>>) src(%arg6 : memref<632x128xf32, #tpu.memory_space<hbm>>) dst(%dma_wait3A_39 : memref<632x128xf32, #tpu.memory_space<vmem_shared>>)
      tpu.yield
    }) : () -> ()
    "tpu.region"() ({
      %run_scoped3A = tpu.sem_alloc : memref<!tpu.dma_semaphore, #tpu.memory_space<semaphore_mem>>
      %dma_start3A = arith.constant 0 : i32
      %dma_start3A_38 = tpu.memref_slice %arg17[%mul3A_0, %dma_start3A] : memref<10112x8xf32, #tpu.memory_space<vmem_shared>> -> memref<632x8xf32, #tpu.memory_space<vmem_shared>>
      %dma_start3A_39 = arith.constant 0 : i32
      %dma_start3A_40 = arith.constant 0 : i32
      %dma_start3A_41 = tpu.memref_slice %arg7[%dma_start3A_39, %dma_start3A_40] : memref<680x8xf32, #tpu.memory_space<hbm>> -> memref<632x8xf32, #tpu.memory_space<hbm>>
      tpu.enqueue_dma source(%dma_start3A_41 : memref<632x8xf32, #tpu.memory_space<hbm>>) target(%dma_start3A_38 : memref<632x8xf32, #tpu.memory_space<vmem_shared>>) target_semaphore(%run_scoped3A : memref<!tpu.dma_semaphore, #tpu.memory_space<semaphore_mem>>)
      %dma_wait3A = arith.constant 0 : i32
      %dma_wait3A_42 = tpu.memref_slice %arg17[%mul3A_0, %dma_wait3A] : memref<10112x8xf32, #tpu.memory_space<vmem_shared>> -> memref<632x8xf32, #tpu.memory_space<vmem_shared>>
      %dma_wait3A_43 = arith.constant 0 : i32
      %dma_wait3A_44 = arith.constant 0 : i32
      %dma_wait3A_45 = tpu.memref_slice %arg7[%dma_wait3A_43, %dma_wait3A_44] : memref<680x8xf32, #tpu.memory_space<hbm>> -> memref<632x8xf32, #tpu.memory_space<hbm>>
      tpu.wait_dma2 semaphore(%run_scoped3A : memref<!tpu.dma_semaphore, #tpu.memory_space<semaphore_mem>>) src(%dma_wait3A_45 : memref<632x8xf32, #tpu.memory_space<hbm>>) dst(%dma_wait3A_42 : memref<632x8xf32, #tpu.memory_space<vmem_shared>>)
      tpu.yield
    }) : () -> ()
    "tpu.region"() ({
      %run_scoped3A = tpu.sem_alloc : memref<!tpu.dma_semaphore, #tpu.memory_space<semaphore_mem>>
      %dma_start3A = arith.constant 632 : i32
      %dma_start3A_38 = arith.constant 0 : i32
      %dma_start3A_39 = tpu.memref_slice %arg7[%dma_start3A, %dma_start3A_38] : memref<680x8xf32, #tpu.memory_space<hbm>> -> memref<48x8xf32, #tpu.memory_space<hbm>>
      %dma_start3A_40 = arith.constant 632 : i32
      %dma_start3A_41 = arith.constant 0 : i32
      %dma_start3A_42 = tpu.memref_slice %arg7[%dma_start3A_40, %dma_start3A_41] : memref<680x8xf32, #tpu.memory_space<hbm>> -> memref<48x8xf32, #tpu.memory_space<hbm>>
      tpu.enqueue_dma source(%dma_start3A_42 : memref<48x8xf32, #tpu.memory_space<hbm>>) target(%arg18 : memref<48x8xf32, #tpu.memory_space<vmem>>) target_semaphore(%run_scoped3A : memref<!tpu.dma_semaphore, #tpu.memory_space<semaphore_mem>>)
      %dma_wait3A = arith.constant 632 : i32
      %dma_wait3A_43 = arith.constant 0 : i32
      %dma_wait3A_44 = tpu.memref_slice %arg7[%dma_wait3A, %dma_wait3A_43] : memref<680x8xf32, #tpu.memory_space<hbm>> -> memref<48x8xf32, #tpu.memory_space<hbm>>
      %dma_wait3A_45 = arith.constant 632 : i32
      %dma_wait3A_46 = arith.constant 0 : i32
      %dma_wait3A_47 = tpu.memref_slice %arg7[%dma_wait3A_45, %dma_wait3A_46] : memref<680x8xf32, #tpu.memory_space<hbm>> -> memref<48x8xf32, #tpu.memory_space<hbm>>
      tpu.wait_dma2 semaphore(%run_scoped3A : memref<!tpu.dma_semaphore, #tpu.memory_space<semaphore_mem>>) src(%dma_wait3A_47 : memref<48x8xf32, #tpu.memory_space<hbm>>) dst(%arg18 : memref<48x8xf32, #tpu.memory_space<vmem>>)
      tpu.yield
    }) : () -> ()
    %barrier3A = arith.constant 0 : index
    tpu.barrier barrier_id(%barrier3A)
    %eq3A_8 = arith.constant 0 : i32
    %eq3A_9 = arith.cmpi eq, %arg0, %eq3A_8 : i32
    %convert_element_type3A_10 = arith.extui %eq3A_9 : i1 to i32
    %cond3A_11 = arith.constant 0 : i32
    %cond3A_12 = arith.cmpi ne, %convert_element_type3A_10, %cond3A_11 : i32
    scf.if %cond3A_12 {
      %scan3A = arith.constant 0 : i32
      %scan3A_38 = arith.constant 0 : i32
      %scan3A_39 = arith.constant 105 : i32
      %scan3A_40 = arith.addi %scan3A_38, %scan3A_39 : i32
      %scan3A_41 = arith.constant 1 : i32
      scf.for %scan3A_43 = %scan3A_38 to %scan3A_40 step %scan3A_41  : i32 {
        %mul3A_44 = arith.constant 2 : i32
        %mul3A_45 = arith.muli %mul3A_44, %scan3A_43 : i32
        %gt3A = arith.constant 0 : i32
        %gt3A_46 = arith.cmpi sgt, %scan3A_43, %gt3A : i32
        %convert_element_type3A_47 = arith.extui %gt3A_46 : i1 to i32
        %cond3A_48 = arith.constant 0 : i32
        %cond3A_49 = arith.cmpi ne, %convert_element_type3A_47, %cond3A_48 : i32
        scf.if %cond3A_49 {
          %add3A_82 = arith.constant 1 : i32
          %add3A_83 = arith.addi %mul3A_45, %add3A_82 : i32
          %dma_start3A_84 = arith.constant 0 : i32
          %dma_start3A_85 = tpu.memref_slice %arg11[%add3A_83, %dma_start3A_84] : memref<210x48xi32, #tpu.memory_space<vmem>> -> memref<1x48xi32, #tpu.memory_space<vmem>>
          %dma_start3A_86 = tpu.memref_squeeze %dma_start3A_85 : memref<1x48xi32, #tpu.memory_space<vmem>> -> memref<48xi32, #tpu.memory_space<vmem>>
          %dma_start3A_87 = arith.constant 0 : i32
          %dma_start3A_88 = arith.constant 0 : i32
          %dma_start3A_89 = tpu.memref_slice %arg2[%dma_start3A_87, %dma_start3A_88] : memref<10000x128xf32, #tpu.memory_space<hbm>> -> memref<10000x128xf32, #tpu.memory_space<hbm>>
          tpu.enqueue_indirect_dma source(%dma_start3A_89 : memref<10000x128xf32, #tpu.memory_space<hbm>>) target(%arg14 : memref<48x128xf32, #tpu.memory_space<vmem>>) offsets(%dma_start3A_86 : memref<48xi32, #tpu.memory_space<vmem>>) semaphore(%arg16 : memref<!tpu.dma_semaphore, #tpu.memory_space<semaphore_mem>>)
        } else {
        }
        %dma_wait3A = arith.constant 0 : i32
        %dma_wait3A_50 = tpu.memref_slice %arg11[%mul3A_45, %dma_wait3A] : memref<210x48xi32, #tpu.memory_space<vmem>> -> memref<1x48xi32, #tpu.memory_space<vmem>>
        %dma_wait3A_51 = tpu.memref_squeeze %dma_wait3A_50 : memref<1x48xi32, #tpu.memory_space<vmem>> -> memref<48xi32, #tpu.memory_space<vmem>>
        %dma_wait3A_52 = arith.constant 0 : i32
        %dma_wait3A_53 = arith.constant 0 : i32
        %dma_wait3A_54 = tpu.memref_slice %arg2[%dma_wait3A_52, %dma_wait3A_53] : memref<10000x128xf32, #tpu.memory_space<hbm>> -> memref<10000x128xf32, #tpu.memory_space<hbm>>
        tpu.wait_indirect_dma semaphore(%arg15 : memref<!tpu.dma_semaphore, #tpu.memory_space<semaphore_mem>>) src(%dma_wait3A_54 : memref<10000x128xf32, #tpu.memory_space<hbm>>) dst(%arg13 : memref<48x128xf32, #tpu.memory_space<vmem>>)
        %dma_start3A = arith.constant 0 : i32
        %dma_start3A_55 = tpu.memref_slice %arg12[%mul3A_45, %dma_start3A] : memref<210x48xi32, #tpu.memory_space<vmem>> -> memref<1x48xi32, #tpu.memory_space<vmem>>
        %dma_start3A_56 = tpu.memref_squeeze %dma_start3A_55 : memref<1x48xi32, #tpu.memory_space<vmem>> -> memref<48xi32, #tpu.memory_space<vmem>>
        %dma_start3A_57 = arith.constant 0 : i32
        %dma_start3A_58 = arith.constant 0 : i32
        %dma_start3A_59 = tpu.memref_slice %arg17[%dma_start3A_57, %dma_start3A_58] : memref<10112x8xf32, #tpu.memory_space<vmem_shared>> -> memref<10112x8xf32, #tpu.memory_space<vmem_shared>>
        tpu.enqueue_indirect_dma source(%arg18 : memref<48x8xf32, #tpu.memory_space<vmem>>) target(%dma_start3A_59 : memref<10112x8xf32, #tpu.memory_space<vmem_shared>>) offsets(%dma_start3A_56 : memref<48xi32, #tpu.memory_space<vmem>>) semaphore(%arg19 : memref<!tpu.dma_semaphore, #tpu.memory_space<semaphore_mem>>) {add = true}
        "tpu.region"() ({
          %run_scoped3A = tpu.sem_alloc : memref<!tpu.dma_semaphore, #tpu.memory_space<semaphore_mem>>
          %dma_start3A_82 = arith.constant 0 : i32
          %dma_start3A_83 = tpu.memref_slice %arg12[%mul3A_45, %dma_start3A_82] : memref<210x48xi32, #tpu.memory_space<vmem>> -> memref<1x48xi32, #tpu.memory_space<vmem>>
          %dma_start3A_84 = tpu.memref_squeeze %dma_start3A_83 : memref<1x48xi32, #tpu.memory_space<vmem>> -> memref<48xi32, #tpu.memory_space<vmem>>
          %dma_start3A_85 = arith.constant 0 : i32
          %dma_start3A_86 = arith.constant 0 : i32
          %dma_start3A_87 = tpu.memref_slice %arg10[%dma_start3A_85, %dma_start3A_86] : memref<10112x128xf32, #tpu.memory_space<vmem_shared>> -> memref<10112x128xf32, #tpu.memory_space<vmem_shared>>
          tpu.enqueue_indirect_dma source(%arg13 : memref<48x128xf32, #tpu.memory_space<vmem>>) target(%dma_start3A_87 : memref<10112x128xf32, #tpu.memory_space<vmem_shared>>) offsets(%dma_start3A_84 : memref<48xi32, #tpu.memory_space<vmem>>) semaphore(%run_scoped3A : memref<!tpu.dma_semaphore, #tpu.memory_space<semaphore_mem>>) {add = true}
          %dma_wait3A_88 = arith.constant 0 : i32
          %dma_wait3A_89 = tpu.memref_slice %arg12[%mul3A_45, %dma_wait3A_88] : memref<210x48xi32, #tpu.memory_space<vmem>> -> memref<1x48xi32, #tpu.memory_space<vmem>>
          %dma_wait3A_90 = tpu.memref_squeeze %dma_wait3A_89 : memref<1x48xi32, #tpu.memory_space<vmem>> -> memref<48xi32, #tpu.memory_space<vmem>>
          %dma_wait3A_91 = arith.constant 0 : i32
          %dma_wait3A_92 = arith.constant 0 : i32
          %dma_wait3A_93 = tpu.memref_slice %arg10[%dma_wait3A_91, %dma_wait3A_92] : memref<10112x128xf32, #tpu.memory_space<vmem_shared>> -> memref<10112x128xf32, #tpu.memory_space<vmem_shared>>
          tpu.wait_indirect_dma semaphore(%run_scoped3A : memref<!tpu.dma_semaphore, #tpu.memory_space<semaphore_mem>>) src(%arg13 : memref<48x128xf32, #tpu.memory_space<vmem>>) dst(%dma_wait3A_93 : memref<10112x128xf32, #tpu.memory_space<vmem_shared>>)
          tpu.yield
        }) : () -> ()
        %dma_wait3A_60 = arith.constant 0 : i32
        %dma_wait3A_61 = tpu.memref_slice %arg12[%mul3A_45, %dma_wait3A_60] : memref<210x48xi32, #tpu.memory_space<vmem>> -> memref<1x48xi32, #tpu.memory_space<vmem>>
        %dma_wait3A_62 = tpu.memref_squeeze %dma_wait3A_61 : memref<1x48xi32, #tpu.memory_space<vmem>> -> memref<48xi32, #tpu.memory_space<vmem>>
        %dma_wait3A_63 = arith.constant 0 : i32
        %dma_wait3A_64 = arith.constant 0 : i32
        %dma_wait3A_65 = tpu.memref_slice %arg17[%dma_wait3A_63, %dma_wait3A_64] : memref<10112x8xf32, #tpu.memory_space<vmem_shared>> -> memref<10112x8xf32, #tpu.memory_space<vmem_shared>>
        tpu.wait_indirect_dma semaphore(%arg19 : memref<!tpu.dma_semaphore, #tpu.memory_space<semaphore_mem>>) src(%arg18 : memref<48x8xf32, #tpu.memory_space<vmem>>) dst(%dma_wait3A_65 : memref<10112x8xf32, #tpu.memory_space<vmem_shared>>)
        %add3A = arith.constant 2 : i32
        %add3A_66 = arith.addi %mul3A_45, %add3A : i32
        %lt3A_67 = arith.constant 210 : i32
        %lt3A_68 = arith.cmpi slt, %add3A_66, %lt3A_67 : i32
        %convert_element_type3A_69 = arith.extui %lt3A_68 : i1 to i32
        %cond3A_70 = arith.constant 0 : i32
        %cond3A_71 = arith.cmpi ne, %convert_element_type3A_69, %cond3A_70 : i32
        scf.if %cond3A_71 {
          %add3A_82 = arith.constant 2 : i32
          %add3A_83 = arith.addi %mul3A_45, %add3A_82 : i32
          %dma_start3A_84 = arith.constant 0 : i32
          %dma_start3A_85 = tpu.memref_slice %arg11[%add3A_83, %dma_start3A_84] : memref<210x48xi32, #tpu.memory_space<vmem>> -> memref<1x48xi32, #tpu.memory_space<vmem>>
          %dma_start3A_86 = tpu.memref_squeeze %dma_start3A_85 : memref<1x48xi32, #tpu.memory_space<vmem>> -> memref<48xi32, #tpu.memory_space<vmem>>
          %dma_start3A_87 = arith.constant 0 : i32
          %dma_start3A_88 = arith.constant 0 : i32
          %dma_start3A_89 = tpu.memref_slice %arg2[%dma_start3A_87, %dma_start3A_88] : memref<10000x128xf32, #tpu.memory_space<hbm>> -> memref<10000x128xf32, #tpu.memory_space<hbm>>
          tpu.enqueue_indirect_dma source(%dma_start3A_89 : memref<10000x128xf32, #tpu.memory_space<hbm>>) target(%arg13 : memref<48x128xf32, #tpu.memory_space<vmem>>) offsets(%dma_start3A_86 : memref<48xi32, #tpu.memory_space<vmem>>) semaphore(%arg15 : memref<!tpu.dma_semaphore, #tpu.memory_space<semaphore_mem>>)
        } else {
        }
        %add3A_72 = arith.constant 1 : i32
        %add3A_73 = arith.addi %mul3A_45, %add3A_72 : i32
        %dma_wait3A_74 = arith.constant 0 : i32
        %dma_wait3A_75 = tpu.memref_slice %arg11[%add3A_73, %dma_wait3A_74] : memref<210x48xi32, #tpu.memory_space<vmem>> -> memref<1x48xi32, #tpu.memory_space<vmem>>
        %dma_wait3A_76 = tpu.memref_squeeze %dma_wait3A_75 : memref<1x48xi32, #tpu.memory_space<vmem>> -> memref<48xi32, #tpu.memory_space<vmem>>
        %dma_wait3A_77 = arith.constant 0 : i32
        %dma_wait3A_78 = arith.constant 0 : i32
        %dma_wait3A_79 = tpu.memref_slice %arg2[%dma_wait3A_77, %dma_wait3A_78] : memref<10000x128xf32, #tpu.memory_space<hbm>> -> memref<10000x128xf32, #tpu.memory_space<hbm>>
        tpu.wait_indirect_dma semaphore(%arg16 : memref<!tpu.dma_semaphore, #tpu.memory_space<semaphore_mem>>) src(%dma_wait3A_79 : memref<10000x128xf32, #tpu.memory_space<hbm>>) dst(%arg14 : memref<48x128xf32, #tpu.memory_space<vmem>>)
        %add3A_80 = arith.constant 1 : i32
        %add3A_81 = arith.addi %mul3A_45, %add3A_80 : i32
        "tpu.region"() ({
          %run_scoped3A = tpu.sem_alloc : memref<!tpu.dma_semaphore, #tpu.memory_space<semaphore_mem>>
          %dma_start3A_82 = arith.constant 0 : i32
          %dma_start3A_83 = tpu.memref_slice %arg12[%add3A_81, %dma_start3A_82] : memref<210x48xi32, #tpu.memory_space<vmem>> -> memref<1x48xi32, #tpu.memory_space<vmem>>
          %dma_start3A_84 = tpu.memref_squeeze %dma_start3A_83 : memref<1x48xi32, #tpu.memory_space<vmem>> -> memref<48xi32, #tpu.memory_space<vmem>>
          %dma_start3A_85 = arith.constant 0 : i32
          %dma_start3A_86 = arith.constant 0 : i32
          %dma_start3A_87 = tpu.memref_slice %arg10[%dma_start3A_85, %dma_start3A_86] : memref<10112x128xf32, #tpu.memory_space<vmem_shared>> -> memref<10112x128xf32, #tpu.memory_space<vmem_shared>>
          tpu.enqueue_indirect_dma source(%arg14 : memref<48x128xf32, #tpu.memory_space<vmem>>) target(%dma_start3A_87 : memref<10112x128xf32, #tpu.memory_space<vmem_shared>>) offsets(%dma_start3A_84 : memref<48xi32, #tpu.memory_space<vmem>>) semaphore(%run_scoped3A : memref<!tpu.dma_semaphore, #tpu.memory_space<semaphore_mem>>) {add = true}
          %dma_wait3A_88 = arith.constant 0 : i32
          %dma_wait3A_89 = tpu.memref_slice %arg12[%add3A_81, %dma_wait3A_88] : memref<210x48xi32, #tpu.memory_space<vmem>> -> memref<1x48xi32, #tpu.memory_space<vmem>>
          %dma_wait3A_90 = tpu.memref_squeeze %dma_wait3A_89 : memref<1x48xi32, #tpu.memory_space<vmem>> -> memref<48xi32, #tpu.memory_space<vmem>>
          %dma_wait3A_91 = arith.constant 0 : i32
          %dma_wait3A_92 = arith.constant 0 : i32
          %dma_wait3A_93 = tpu.memref_slice %arg10[%dma_wait3A_91, %dma_wait3A_92] : memref<10112x128xf32, #tpu.memory_space<vmem_shared>> -> memref<10112x128xf32, #tpu.memory_space<vmem_shared>>
          tpu.wait_indirect_dma semaphore(%run_scoped3A : memref<!tpu.dma_semaphore, #tpu.memory_space<semaphore_mem>>) src(%arg14 : memref<48x128xf32, #tpu.memory_space<vmem>>) dst(%dma_wait3A_93 : memref<10112x128xf32, #tpu.memory_space<vmem_shared>>)
          tpu.yield
        }) : () -> ()
      }
      %scan3A_42 = arith.constant 105 : i32
    } else {
    }
    %eq3A_13 = arith.constant 1 : i32
    %eq3A_14 = arith.cmpi eq, %arg0, %eq3A_13 : i32
    %convert_element_type3A_15 = arith.extui %eq3A_14 : i1 to i32
    %cond3A_16 = arith.constant 0 : i32
    %cond3A_17 = arith.cmpi ne, %convert_element_type3A_15, %cond3A_16 : i32
    scf.if %cond3A_17 {
      %scan3A = arith.constant 0 : i32
      %scan3A_38 = arith.constant 0 : i32
      %scan3A_39 = arith.constant 105 : i32
      %scan3A_40 = arith.addi %scan3A_38, %scan3A_39 : i32
      %scan3A_41 = arith.constant 1 : i32
      scf.for %scan3A_43 = %scan3A_38 to %scan3A_40 step %scan3A_41  : i32 {
        %mul3A_44 = arith.constant 2 : i32
        %mul3A_45 = arith.muli %mul3A_44, %scan3A_43 : i32
        %gt3A = arith.constant 0 : i32
        %gt3A_46 = arith.cmpi sgt, %scan3A_43, %gt3A : i32
        %convert_element_type3A_47 = arith.extui %gt3A_46 : i1 to i32
        %cond3A_48 = arith.constant 0 : i32
        %cond3A_49 = arith.cmpi ne, %convert_element_type3A_47, %cond3A_48 : i32
        scf.if %cond3A_49 {
          %add3A_82 = arith.constant 1 : i32
          %add3A_83 = arith.addi %mul3A_45, %add3A_82 : i32
          %dma_start3A_84 = arith.constant 0 : i32
          %dma_start3A_85 = tpu.memref_slice %arg11[%add3A_83, %dma_start3A_84] : memref<210x48xi32, #tpu.memory_space<vmem>> -> memref<1x48xi32, #tpu.memory_space<vmem>>
          %dma_start3A_86 = tpu.memref_squeeze %dma_start3A_85 : memref<1x48xi32, #tpu.memory_space<vmem>> -> memref<48xi32, #tpu.memory_space<vmem>>
          %dma_start3A_87 = arith.constant 0 : i32
          %dma_start3A_88 = arith.constant 0 : i32
          %dma_start3A_89 = tpu.memref_slice %arg3[%dma_start3A_87, %dma_start3A_88] : memref<10000x128xf32, #tpu.memory_space<hbm>> -> memref<10000x128xf32, #tpu.memory_space<hbm>>
          tpu.enqueue_indirect_dma source(%dma_start3A_89 : memref<10000x128xf32, #tpu.memory_space<hbm>>) target(%arg14 : memref<48x128xf32, #tpu.memory_space<vmem>>) offsets(%dma_start3A_86 : memref<48xi32, #tpu.memory_space<vmem>>) semaphore(%arg16 : memref<!tpu.dma_semaphore, #tpu.memory_space<semaphore_mem>>)
        } else {
        }
        %dma_wait3A = arith.constant 0 : i32
        %dma_wait3A_50 = tpu.memref_slice %arg11[%mul3A_45, %dma_wait3A] : memref<210x48xi32, #tpu.memory_space<vmem>> -> memref<1x48xi32, #tpu.memory_space<vmem>>
        %dma_wait3A_51 = tpu.memref_squeeze %dma_wait3A_50 : memref<1x48xi32, #tpu.memory_space<vmem>> -> memref<48xi32, #tpu.memory_space<vmem>>
        %dma_wait3A_52 = arith.constant 0 : i32
        %dma_wait3A_53 = arith.constant 0 : i32
        %dma_wait3A_54 = tpu.memref_slice %arg3[%dma_wait3A_52, %dma_wait3A_53] : memref<10000x128xf32, #tpu.memory_space<hbm>> -> memref<10000x128xf32, #tpu.memory_space<hbm>>
        tpu.wait_indirect_dma semaphore(%arg15 : memref<!tpu.dma_semaphore, #tpu.memory_space<semaphore_mem>>) src(%dma_wait3A_54 : memref<10000x128xf32, #tpu.memory_space<hbm>>) dst(%arg13 : memref<48x128xf32, #tpu.memory_space<vmem>>)
        "tpu.region"() ({
          %run_scoped3A = tpu.sem_alloc : memref<!tpu.dma_semaphore, #tpu.memory_space<semaphore_mem>>
          %dma_start3A_82 = arith.constant 0 : i32
          %dma_start3A_83 = tpu.memref_slice %arg12[%mul3A_45, %dma_start3A_82] : memref<210x48xi32, #tpu.memory_space<vmem>> -> memref<1x48xi32, #tpu.memory_space<vmem>>
          %dma_start3A_84 = tpu.memref_squeeze %dma_start3A_83 : memref<1x48xi32, #tpu.memory_space<vmem>> -> memref<48xi32, #tpu.memory_space<vmem>>
          %dma_start3A_85 = arith.constant 0 : i32
          %dma_start3A_86 = arith.constant 0 : i32
          %dma_start3A_87 = tpu.memref_slice %arg10[%dma_start3A_85, %dma_start3A_86] : memref<10112x128xf32, #tpu.memory_space<vmem_shared>> -> memref<10112x128xf32, #tpu.memory_space<vmem_shared>>
          tpu.enqueue_indirect_dma source(%arg13 : memref<48x128xf32, #tpu.memory_space<vmem>>) target(%dma_start3A_87 : memref<10112x128xf32, #tpu.memory_space<vmem_shared>>) offsets(%dma_start3A_84 : memref<48xi32, #tpu.memory_space<vmem>>) semaphore(%run_scoped3A : memref<!tpu.dma_semaphore, #tpu.memory_space<semaphore_mem>>) {add = true}
          %dma_wait3A_88 = arith.constant 0 : i32
          %dma_wait3A_89 = tpu.memref_slice %arg12[%mul3A_45, %dma_wait3A_88] : memref<210x48xi32, #tpu.memory_space<vmem>> -> memref<1x48xi32, #tpu.memory_space<vmem>>
          %dma_wait3A_90 = tpu.memref_squeeze %dma_wait3A_89 : memref<1x48xi32, #tpu.memory_space<vmem>> -> memref<48xi32, #tpu.memory_space<vmem>>
          %dma_wait3A_91 = arith.constant 0 : i32
          %dma_wait3A_92 = arith.constant 0 : i32
          %dma_wait3A_93 = tpu.memref_slice %arg10[%dma_wait3A_91, %dma_wait3A_92] : memref<10112x128xf32, #tpu.memory_space<vmem_shared>> -> memref<10112x128xf32, #tpu.memory_space<vmem_shared>>
          tpu.wait_indirect_dma semaphore(%run_scoped3A : memref<!tpu.dma_semaphore, #tpu.memory_space<semaphore_mem>>) src(%arg13 : memref<48x128xf32, #tpu.memory_space<vmem>>) dst(%dma_wait3A_93 : memref<10112x128xf32, #tpu.memory_space<vmem_shared>>)
          tpu.yield
        }) : () -> ()
        %add3A = arith.constant 2 : i32
        %add3A_55 = arith.addi %mul3A_45, %add3A : i32
        %lt3A_56 = arith.constant 210 : i32
        %lt3A_57 = arith.cmpi slt, %add3A_55, %lt3A_56 : i32
        %convert_element_type3A_58 = arith.extui %lt3A_57 : i1 to i32
        %cond3A_59 = arith.constant 0 : i32
        %cond3A_60 = arith.cmpi ne, %convert_element_type3A_58, %cond3A_59 : i32
        scf.if %cond3A_60 {
          %add3A_82 = arith.constant 2 : i32
          %add3A_83 = arith.addi %mul3A_45, %add3A_82 : i32
          %dma_start3A_84 = arith.constant 0 : i32
          %dma_start3A_85 = tpu.memref_slice %arg11[%add3A_83, %dma_start3A_84] : memref<210x48xi32, #tpu.memory_space<vmem>> -> memref<1x48xi32, #tpu.memory_space<vmem>>
          %dma_start3A_86 = tpu.memref_squeeze %dma_start3A_85 : memref<1x48xi32, #tpu.memory_space<vmem>> -> memref<48xi32, #tpu.memory_space<vmem>>
          %dma_start3A_87 = arith.constant 0 : i32
          %dma_start3A_88 = arith.constant 0 : i32
          %dma_start3A_89 = tpu.memref_slice %arg3[%dma_start3A_87, %dma_start3A_88] : memref<10000x128xf32, #tpu.memory_space<hbm>> -> memref<10000x128xf32, #tpu.memory_space<hbm>>
          tpu.enqueue_indirect_dma source(%dma_start3A_89 : memref<10000x128xf32, #tpu.memory_space<hbm>>) target(%arg13 : memref<48x128xf32, #tpu.memory_space<vmem>>) offsets(%dma_start3A_86 : memref<48xi32, #tpu.memory_space<vmem>>) semaphore(%arg15 : memref<!tpu.dma_semaphore, #tpu.memory_space<semaphore_mem>>)
        } else {
        }
        %add3A_61 = arith.constant 1 : i32
        %add3A_62 = arith.addi %mul3A_45, %add3A_61 : i32
        %dma_wait3A_63 = arith.constant 0 : i32
        %dma_wait3A_64 = tpu.memref_slice %arg11[%add3A_62, %dma_wait3A_63] : memref<210x48xi32, #tpu.memory_space<vmem>> -> memref<1x48xi32, #tpu.memory_space<vmem>>
        %dma_wait3A_65 = tpu.memref_squeeze %dma_wait3A_64 : memref<1x48xi32, #tpu.memory_space<vmem>> -> memref<48xi32, #tpu.memory_space<vmem>>
        %dma_wait3A_66 = arith.constant 0 : i32
        %dma_wait3A_67 = arith.constant 0 : i32
        %dma_wait3A_68 = tpu.memref_slice %arg3[%dma_wait3A_66, %dma_wait3A_67] : memref<10000x128xf32, #tpu.memory_space<hbm>> -> memref<10000x128xf32, #tpu.memory_space<hbm>>
        tpu.wait_indirect_dma semaphore(%arg16 : memref<!tpu.dma_semaphore, #tpu.memory_space<semaphore_mem>>) src(%dma_wait3A_68 : memref<10000x128xf32, #tpu.memory_space<hbm>>) dst(%arg14 : memref<48x128xf32, #tpu.memory_space<vmem>>)
        %add3A_69 = arith.constant 1 : i32
        %add3A_70 = arith.addi %mul3A_45, %add3A_69 : i32
        %dma_start3A = arith.constant 0 : i32
        %dma_start3A_71 = tpu.memref_slice %arg12[%add3A_70, %dma_start3A] : memref<210x48xi32, #tpu.memory_space<vmem>> -> memref<1x48xi32, #tpu.memory_space<vmem>>
        %dma_start3A_72 = tpu.memref_squeeze %dma_start3A_71 : memref<1x48xi32, #tpu.memory_space<vmem>> -> memref<48xi32, #tpu.memory_space<vmem>>
        %dma_start3A_73 = arith.constant 0 : i32
        %dma_start3A_74 = arith.constant 0 : i32
        %dma_start3A_75 = tpu.memref_slice %arg17[%dma_start3A_73, %dma_start3A_74] : memref<10112x8xf32, #tpu.memory_space<vmem_shared>> -> memref<10112x8xf32, #tpu.memory_space<vmem_shared>>
        tpu.enqueue_indirect_dma source(%arg18 : memref<48x8xf32, #tpu.memory_space<vmem>>) target(%dma_start3A_75 : memref<10112x8xf32, #tpu.memory_space<vmem_shared>>) offsets(%dma_start3A_72 : memref<48xi32, #tpu.memory_space<vmem>>) semaphore(%arg19 : memref<!tpu.dma_semaphore, #tpu.memory_space<semaphore_mem>>) {add = true}
        "tpu.region"() ({
          %run_scoped3A = tpu.sem_alloc : memref<!tpu.dma_semaphore, #tpu.memory_space<semaphore_mem>>
          %dma_start3A_82 = arith.constant 0 : i32
          %dma_start3A_83 = tpu.memref_slice %arg12[%add3A_70, %dma_start3A_82] : memref<210x48xi32, #tpu.memory_space<vmem>> -> memref<1x48xi32, #tpu.memory_space<vmem>>
          %dma_start3A_84 = tpu.memref_squeeze %dma_start3A_83 : memref<1x48xi32, #tpu.memory_space<vmem>> -> memref<48xi32, #tpu.memory_space<vmem>>
          %dma_start3A_85 = arith.constant 0 : i32
          %dma_start3A_86 = arith.constant 0 : i32
          %dma_start3A_87 = tpu.memref_slice %arg10[%dma_start3A_85, %dma_start3A_86] : memref<10112x128xf32, #tpu.memory_space<vmem_shared>> -> memref<10112x128xf32, #tpu.memory_space<vmem_shared>>
          tpu.enqueue_indirect_dma source(%arg14 : memref<48x128xf32, #tpu.memory_space<vmem>>) target(%dma_start3A_87 : memref<10112x128xf32, #tpu.memory_space<vmem_shared>>) offsets(%dma_start3A_84 : memref<48xi32, #tpu.memory_space<vmem>>) semaphore(%run_scoped3A : memref<!tpu.dma_semaphore, #tpu.memory_space<semaphore_mem>>) {add = true}
          %dma_wait3A_88 = arith.constant 0 : i32
          %dma_wait3A_89 = tpu.memref_slice %arg12[%add3A_70, %dma_wait3A_88] : memref<210x48xi32, #tpu.memory_space<vmem>> -> memref<1x48xi32, #tpu.memory_space<vmem>>
          %dma_wait3A_90 = tpu.memref_squeeze %dma_wait3A_89 : memref<1x48xi32, #tpu.memory_space<vmem>> -> memref<48xi32, #tpu.memory_space<vmem>>
          %dma_wait3A_91 = arith.constant 0 : i32
          %dma_wait3A_92 = arith.constant 0 : i32
          %dma_wait3A_93 = tpu.memref_slice %arg10[%dma_wait3A_91, %dma_wait3A_92] : memref<10112x128xf32, #tpu.memory_space<vmem_shared>> -> memref<10112x128xf32, #tpu.memory_space<vmem_shared>>
          tpu.wait_indirect_dma semaphore(%run_scoped3A : memref<!tpu.dma_semaphore, #tpu.memory_space<semaphore_mem>>) src(%arg14 : memref<48x128xf32, #tpu.memory_space<vmem>>) dst(%dma_wait3A_93 : memref<10112x128xf32, #tpu.memory_space<vmem_shared>>)
          tpu.yield
        }) : () -> ()
        %dma_wait3A_76 = arith.constant 0 : i32
        %dma_wait3A_77 = tpu.memref_slice %arg12[%add3A_70, %dma_wait3A_76] : memref<210x48xi32, #tpu.memory_space<vmem>> -> memref<1x48xi32, #tpu.memory_space<vmem>>
        %dma_wait3A_78 = tpu.memref_squeeze %dma_wait3A_77 : memref<1x48xi32, #tpu.memory_space<vmem>> -> memref<48xi32, #tpu.memory_space<vmem>>
        %dma_wait3A_79 = arith.constant 0 : i32
        %dma_wait3A_80 = arith.constant 0 : i32
        %dma_wait3A_81 = tpu.memref_slice %arg17[%dma_wait3A_79, %dma_wait3A_80] : memref<10112x8xf32, #tpu.memory_space<vmem_shared>> -> memref<10112x8xf32, #tpu.memory_space<vmem_shared>>
        tpu.wait_indirect_dma semaphore(%arg19 : memref<!tpu.dma_semaphore, #tpu.memory_space<semaphore_mem>>) src(%arg18 : memref<48x8xf32, #tpu.memory_space<vmem>>) dst(%dma_wait3A_81 : memref<10112x8xf32, #tpu.memory_space<vmem_shared>>)
      }
      %scan3A_42 = arith.constant 105 : i32
    } else {
    }
    %barrier3A_18 = arith.constant 0 : index
    tpu.barrier barrier_id(%barrier3A_18)
    %lt3A = arith.constant 15 : i32
    %lt3A_19 = arith.cmpi slt, %arg1, %lt3A : i32
    %convert_element_type3A_20 = arith.extui %lt3A_19 : i1 to i32
    %cond3A_21 = arith.constant 0 : i32
    %cond3A_22 = arith.cmpi ne, %convert_element_type3A_20, %cond3A_21 : i32
    scf.if %cond3A_22 {
      "tpu.region"() ({
        %run_scoped3A = tpu.sem_alloc : memref<!tpu.dma_semaphore, #tpu.memory_space<semaphore_mem>>
        %dma_start3A = arith.constant 0 : i32
        %dma_start3A_38 = tpu.memref_slice %arg8[%arg0, %mul3A_0, %dma_start3A] : memref<2x10000x128xf32, #tpu.memory_space<hbm>> -> memref<1x632x128xf32, #tpu.memory_space<hbm>>
        %dma_start3A_39 = tpu.memref_squeeze %dma_start3A_38 : memref<1x632x128xf32, #tpu.memory_space<hbm>> -> memref<632x128xf32, #tpu.memory_space<hbm>>
        %dma_start3A_40 = arith.constant 0 : i32
        %dma_start3A_41 = tpu.memref_slice %arg10[%mul3A_0, %dma_start3A_40] : memref<10112x128xf32, #tpu.memory_space<vmem_shared>> -> memref<632x128xf32, #tpu.memory_space<vmem_shared>>
        tpu.enqueue_dma source(%dma_start3A_41 : memref<632x128xf32, #tpu.memory_space<vmem_shared>>) target(%dma_start3A_39 : memref<632x128xf32, #tpu.memory_space<hbm>>) target_semaphore(%run_scoped3A : memref<!tpu.dma_semaphore, #tpu.memory_space<semaphore_mem>>)
        %dma_wait3A = arith.constant 0 : i32
        %dma_wait3A_42 = tpu.memref_slice %arg8[%arg0, %mul3A_0, %dma_wait3A] : memref<2x10000x128xf32, #tpu.memory_space<hbm>> -> memref<1x632x128xf32, #tpu.memory_space<hbm>>
        %dma_wait3A_43 = tpu.memref_squeeze %dma_wait3A_42 : memref<1x632x128xf32, #tpu.memory_space<hbm>> -> memref<632x128xf32, #tpu.memory_space<hbm>>
        %dma_wait3A_44 = arith.constant 0 : i32
        %dma_wait3A_45 = tpu.memref_slice %arg10[%mul3A_0, %dma_wait3A_44] : memref<10112x128xf32, #tpu.memory_space<vmem_shared>> -> memref<632x128xf32, #tpu.memory_space<vmem_shared>>
        tpu.wait_dma2 semaphore(%run_scoped3A : memref<!tpu.dma_semaphore, #tpu.memory_space<semaphore_mem>>) src(%dma_wait3A_45 : memref<632x128xf32, #tpu.memory_space<vmem_shared>>) dst(%dma_wait3A_43 : memref<632x128xf32, #tpu.memory_space<hbm>>)
        tpu.yield
      }) : () -> ()
    } else {
    }
    %eq3A_23 = arith.constant 15 : i32
    %eq3A_24 = arith.cmpi eq, %arg1, %eq3A_23 : i32
    %convert_element_type3A_25 = arith.extui %eq3A_24 : i1 to i32
    %cond3A_26 = arith.constant 0 : i32
    %cond3A_27 = arith.cmpi ne, %convert_element_type3A_25, %cond3A_26 : i32
    scf.if %cond3A_27 {
      "tpu.region"() ({
        %run_scoped3A = tpu.sem_alloc : memref<!tpu.dma_semaphore, #tpu.memory_space<semaphore_mem>>
        %dma_start3A = arith.constant 9480 : i32
        %dma_start3A_38 = arith.constant 0 : i32
        %dma_start3A_39 = tpu.memref_slice %arg8[%arg0, %dma_start3A, %dma_start3A_38] : memref<2x10000x128xf32, #tpu.memory_space<hbm>> -> memref<1x520x128xf32, #tpu.memory_space<hbm>>
        %dma_start3A_40 = tpu.memref_squeeze %dma_start3A_39 : memref<1x520x128xf32, #tpu.memory_space<hbm>> -> memref<520x128xf32, #tpu.memory_space<hbm>>
        %dma_start3A_41 = arith.constant 9480 : i32
        %dma_start3A_42 = arith.constant 0 : i32
        %dma_start3A_43 = tpu.memref_slice %arg10[%dma_start3A_41, %dma_start3A_42] : memref<10112x128xf32, #tpu.memory_space<vmem_shared>> -> memref<520x128xf32, #tpu.memory_space<vmem_shared>>
        tpu.enqueue_dma source(%dma_start3A_43 : memref<520x128xf32, #tpu.memory_space<vmem_shared>>) target(%dma_start3A_40 : memref<520x128xf32, #tpu.memory_space<hbm>>) target_semaphore(%run_scoped3A : memref<!tpu.dma_semaphore, #tpu.memory_space<semaphore_mem>>)
        %dma_wait3A = arith.constant 9480 : i32
        %dma_wait3A_44 = arith.constant 0 : i32
        %dma_wait3A_45 = tpu.memref_slice %arg8[%arg0, %dma_wait3A, %dma_wait3A_44] : memref<2x10000x128xf32, #tpu.memory_space<hbm>> -> memref<1x520x128xf32, #tpu.memory_space<hbm>>
        %dma_wait3A_46 = tpu.memref_squeeze %dma_wait3A_45 : memref<1x520x128xf32, #tpu.memory_space<hbm>> -> memref<520x128xf32, #tpu.memory_space<hbm>>
        %dma_wait3A_47 = arith.constant 9480 : i32
        %dma_wait3A_48 = arith.constant 0 : i32
        %dma_wait3A_49 = tpu.memref_slice %arg10[%dma_wait3A_47, %dma_wait3A_48] : memref<10112x128xf32, #tpu.memory_space<vmem_shared>> -> memref<520x128xf32, #tpu.memory_space<vmem_shared>>
        tpu.wait_dma2 semaphore(%run_scoped3A : memref<!tpu.dma_semaphore, #tpu.memory_space<semaphore_mem>>) src(%dma_wait3A_49 : memref<520x128xf32, #tpu.memory_space<vmem_shared>>) dst(%dma_wait3A_46 : memref<520x128xf32, #tpu.memory_space<hbm>>)
        tpu.yield
      }) : () -> ()
    } else {
    }
    %lt3A_28 = arith.constant 15 : i32
    %lt3A_29 = arith.cmpi slt, %arg1, %lt3A_28 : i32
    %convert_element_type3A_30 = arith.extui %lt3A_29 : i1 to i32
    %cond3A_31 = arith.constant 0 : i32
    %cond3A_32 = arith.cmpi ne, %convert_element_type3A_30, %cond3A_31 : i32
    scf.if %cond3A_32 {
      "tpu.region"() ({
        %run_scoped3A = tpu.sem_alloc : memref<!tpu.dma_semaphore, #tpu.memory_space<semaphore_mem>>
        %dma_start3A = arith.constant 0 : i32
        %dma_start3A_38 = tpu.memref_slice %arg9[%arg0, %mul3A_0, %dma_start3A] : memref<2x10000x8xf32, #tpu.memory_space<hbm>> -> memref<1x632x8xf32, #tpu.memory_space<hbm>>
        %dma_start3A_39 = tpu.memref_squeeze %dma_start3A_38 : memref<1x632x8xf32, #tpu.memory_space<hbm>> -> memref<632x8xf32, #tpu.memory_space<hbm>>
        %dma_start3A_40 = arith.constant 0 : i32
        %dma_start3A_41 = tpu.memref_slice %arg17[%mul3A_0, %dma_start3A_40] : memref<10112x8xf32, #tpu.memory_space<vmem_shared>> -> memref<632x8xf32, #tpu.memory_space<vmem_shared>>
        tpu.enqueue_dma source(%dma_start3A_41 : memref<632x8xf32, #tpu.memory_space<vmem_shared>>) target(%dma_start3A_39 : memref<632x8xf32, #tpu.memory_space<hbm>>) target_semaphore(%run_scoped3A : memref<!tpu.dma_semaphore, #tpu.memory_space<semaphore_mem>>)
        %dma_wait3A = arith.constant 0 : i32
        %dma_wait3A_42 = tpu.memref_slice %arg9[%arg0, %mul3A_0, %dma_wait3A] : memref<2x10000x8xf32, #tpu.memory_space<hbm>> -> memref<1x632x8xf32, #tpu.memory_space<hbm>>
        %dma_wait3A_43 = tpu.memref_squeeze %dma_wait3A_42 : memref<1x632x8xf32, #tpu.memory_space<hbm>> -> memref<632x8xf32, #tpu.memory_space<hbm>>
        %dma_wait3A_44 = arith.constant 0 : i32
        %dma_wait3A_45 = tpu.memref_slice %arg17[%mul3A_0, %dma_wait3A_44] : memref<10112x8xf32, #tpu.memory_space<vmem_shared>> -> memref<632x8xf32, #tpu.memory_space<vmem_shared>>
        tpu.wait_dma2 semaphore(%run_scoped3A : memref<!tpu.dma_semaphore, #tpu.memory_space<semaphore_mem>>) src(%dma_wait3A_45 : memref<632x8xf32, #tpu.memory_space<vmem_shared>>) dst(%dma_wait3A_43 : memref<632x8xf32, #tpu.memory_space<hbm>>)
        tpu.yield
      }) : () -> ()
    } else {
    }
    %eq3A_33 = arith.constant 15 : i32
    %eq3A_34 = arith.cmpi eq, %arg1, %eq3A_33 : i32
    %convert_element_type3A_35 = arith.extui %eq3A_34 : i1 to i32
    %cond3A_36 = arith.constant 0 : i32
    %cond3A_37 = arith.cmpi ne, %convert_element_type3A_35, %cond3A_36 : i32
    scf.if %cond3A_37 {
      "tpu.region"() ({
        %run_scoped3A = tpu.sem_alloc : memref<!tpu.dma_semaphore, #tpu.memory_space<semaphore_mem>>
        %dma_start3A = arith.constant 9480 : i32
        %dma_start3A_38 = arith.constant 0 : i32
        %dma_start3A_39 = tpu.memref_slice %arg9[%arg0, %dma_start3A, %dma_start3A_38] : memref<2x10000x8xf32, #tpu.memory_space<hbm>> -> memref<1x520x8xf32, #tpu.memory_space<hbm>>
        %dma_start3A_40 = tpu.memref_squeeze %dma_start3A_39 : memref<1x520x8xf32, #tpu.memory_space<hbm>> -> memref<520x8xf32, #tpu.memory_space<hbm>>
        %dma_start3A_41 = arith.constant 9480 : i32
        %dma_start3A_42 = arith.constant 0 : i32
        %dma_start3A_43 = tpu.memref_slice %arg17[%dma_start3A_41, %dma_start3A_42] : memref<10112x8xf32, #tpu.memory_space<vmem_shared>> -> memref<520x8xf32, #tpu.memory_space<vmem_shared>>
        tpu.enqueue_dma source(%dma_start3A_43 : memref<520x8xf32, #tpu.memory_space<vmem_shared>>) target(%dma_start3A_40 : memref<520x8xf32, #tpu.memory_space<hbm>>) target_semaphore(%run_scoped3A : memref<!tpu.dma_semaphore, #tpu.memory_space<semaphore_mem>>)
        %dma_wait3A = arith.constant 9480 : i32
        %dma_wait3A_44 = arith.constant 0 : i32
        %dma_wait3A_45 = tpu.memref_slice %arg9[%arg0, %dma_wait3A, %dma_wait3A_44] : memref<2x10000x8xf32, #tpu.memory_space<hbm>> -> memref<1x520x8xf32, #tpu.memory_space<hbm>>
        %dma_wait3A_46 = tpu.memref_squeeze %dma_wait3A_45 : memref<1x520x8xf32, #tpu.memory_space<hbm>> -> memref<520x8xf32, #tpu.memory_space<hbm>>
        %dma_wait3A_47 = arith.constant 9480 : i32
        %dma_wait3A_48 = arith.constant 0 : i32
        %dma_wait3A_49 = tpu.memref_slice %arg17[%dma_wait3A_47, %dma_wait3A_48] : memref<10112x8xf32, #tpu.memory_space<vmem_shared>> -> memref<520x8xf32, #tpu.memory_space<vmem_shared>>
        tpu.wait_dma2 semaphore(%run_scoped3A : memref<!tpu.dma_semaphore, #tpu.memory_space<semaphore_mem>>) src(%dma_wait3A_49 : memref<520x8xf32, #tpu.memory_space<vmem_shared>>) dst(%dma_wait3A_46 : memref<520x8xf32, #tpu.memory_space<hbm>>)
        tpu.yield
      }) : () -> ()
    } else {
    }
    return
  }
}

#map = affine_map<(d0, d1) -> (0, 0)>
#map1 = affine_map<(d0, d1) -> (0, 0, 0)>
module attributes {stable_mosaic.version = 14 : i64} {
  func.func @body(%arg0: i32, %arg1: i32, %arg2: memref<10000x128xf32, #tpu.memory_space<hbm>>, %arg3: memref<10000x128xf32, #tpu.memory_space<hbm>>, %arg4: memref<16x210x48xi32, #tpu.memory_space<hbm>>, %arg5: memref<16x210x48xi32, #tpu.memory_space<hbm>>, %arg6: memref<632x128xf32, #tpu.memory_space<hbm>>, %arg7: memref<680x8xf32, #tpu.memory_space<hbm>>, %arg8: memref<2x10000x128xf32, #tpu.memory_space<hbm>>, %arg9: memref<10112x128xf32, #tpu.memory_space<vmem_shared>>, %arg10: memref<210x48xi32, #tpu.memory_space<vmem>>, %arg11: memref<210x48xi32, #tpu.memory_space<vmem>>, %arg12: memref<48x128xf32, #tpu.memory_space<vmem>>, %arg13: memref<48x128xf32, #tpu.memory_space<vmem>>, %arg14: memref<!tpu.dma_semaphore, #tpu.memory_space<semaphore_mem>>, %arg15: memref<!tpu.dma_semaphore, #tpu.memory_space<semaphore_mem>>) attributes {dimension_semantics = [#tpu.dimension_semantics<core_parallel>, #tpu.dimension_semantics<subcore_parallel>], iteration_bounds = array<i64: 2, 16>, scalar_prefetch = 0 : i64, scratch_operands = 7 : i64, tpu.core_type = #tpu.core_type<sc_vector_subcore>, window_params = [{transform_indices = #map}, {transform_indices = #map}, {transform_indices = #map1}, {transform_indices = #map1}, {transform_indices = #map}, {transform_indices = #map}, {transform_indices = #map1}]} {
    %mul3A = arith.constant 632 : i32
    %mul3A_0 = arith.muli %arg1, %mul3A : i32
    "tpu.region"() ({
      %run_scoped3A = tpu.sem_alloc : memref<!tpu.dma_semaphore, #tpu.memory_space<semaphore_mem>>
      %dma_start3A = arith.constant 0 : i32
      %dma_start3A_28 = arith.constant 0 : i32
      %dma_start3A_29 = tpu.memref_slice %arg4[%arg1, %dma_start3A, %dma_start3A_28] : memref<16x210x48xi32, #tpu.memory_space<hbm>> -> memref<1x210x48xi32, #tpu.memory_space<hbm>>
      %dma_start3A_30 = tpu.memref_squeeze %dma_start3A_29 : memref<1x210x48xi32, #tpu.memory_space<hbm>> -> memref<210x48xi32, #tpu.memory_space<hbm>>
      %dma_start3A_31 = arith.constant 0 : i32
      %dma_start3A_32 = arith.constant 0 : i32
      %dma_start3A_33 = tpu.memref_slice %arg4[%arg1, %dma_start3A_31, %dma_start3A_32] : memref<16x210x48xi32, #tpu.memory_space<hbm>> -> memref<1x210x48xi32, #tpu.memory_space<hbm>>
      %dma_start3A_34 = tpu.memref_squeeze %dma_start3A_33 : memref<1x210x48xi32, #tpu.memory_space<hbm>> -> memref<210x48xi32, #tpu.memory_space<hbm>>
      tpu.enqueue_dma source(%dma_start3A_34 : memref<210x48xi32, #tpu.memory_space<hbm>>) target(%arg10 : memref<210x48xi32, #tpu.memory_space<vmem>>) target_semaphore(%run_scoped3A : memref<!tpu.dma_semaphore, #tpu.memory_space<semaphore_mem>>)
      %dma_wait3A = arith.constant 0 : i32
      %dma_wait3A_35 = arith.constant 0 : i32
      %dma_wait3A_36 = tpu.memref_slice %arg4[%arg1, %dma_wait3A, %dma_wait3A_35] : memref<16x210x48xi32, #tpu.memory_space<hbm>> -> memref<1x210x48xi32, #tpu.memory_space<hbm>>
      %dma_wait3A_37 = tpu.memref_squeeze %dma_wait3A_36 : memref<1x210x48xi32, #tpu.memory_space<hbm>> -> memref<210x48xi32, #tpu.memory_space<hbm>>
      %dma_wait3A_38 = arith.constant 0 : i32
      %dma_wait3A_39 = arith.constant 0 : i32
      %dma_wait3A_40 = tpu.memref_slice %arg4[%arg1, %dma_wait3A_38, %dma_wait3A_39] : memref<16x210x48xi32, #tpu.memory_space<hbm>> -> memref<1x210x48xi32, #tpu.memory_space<hbm>>
      %dma_wait3A_41 = tpu.memref_squeeze %dma_wait3A_40 : memref<1x210x48xi32, #tpu.memory_space<hbm>> -> memref<210x48xi32, #tpu.memory_space<hbm>>
      tpu.wait_dma2 semaphore(%run_scoped3A : memref<!tpu.dma_semaphore, #tpu.memory_space<semaphore_mem>>) src(%dma_wait3A_41 : memref<210x48xi32, #tpu.memory_space<hbm>>) dst(%arg10 : memref<210x48xi32, #tpu.memory_space<vmem>>)
      tpu.yield
    }) : () -> ()
    "tpu.region"() ({
      %run_scoped3A = tpu.sem_alloc : memref<!tpu.dma_semaphore, #tpu.memory_space<semaphore_mem>>
      %dma_start3A = arith.constant 0 : i32
      %dma_start3A_28 = arith.constant 0 : i32
      %dma_start3A_29 = tpu.memref_slice %arg5[%arg1, %dma_start3A, %dma_start3A_28] : memref<16x210x48xi32, #tpu.memory_space<hbm>> -> memref<1x210x48xi32, #tpu.memory_space<hbm>>
      %dma_start3A_30 = tpu.memref_squeeze %dma_start3A_29 : memref<1x210x48xi32, #tpu.memory_space<hbm>> -> memref<210x48xi32, #tpu.memory_space<hbm>>
      %dma_start3A_31 = arith.constant 0 : i32
      %dma_start3A_32 = arith.constant 0 : i32
      %dma_start3A_33 = tpu.memref_slice %arg5[%arg1, %dma_start3A_31, %dma_start3A_32] : memref<16x210x48xi32, #tpu.memory_space<hbm>> -> memref<1x210x48xi32, #tpu.memory_space<hbm>>
      %dma_start3A_34 = tpu.memref_squeeze %dma_start3A_33 : memref<1x210x48xi32, #tpu.memory_space<hbm>> -> memref<210x48xi32, #tpu.memory_space<hbm>>
      tpu.enqueue_dma source(%dma_start3A_34 : memref<210x48xi32, #tpu.memory_space<hbm>>) target(%arg11 : memref<210x48xi32, #tpu.memory_space<vmem>>) target_semaphore(%run_scoped3A : memref<!tpu.dma_semaphore, #tpu.memory_space<semaphore_mem>>)
      %dma_wait3A = arith.constant 0 : i32
      %dma_wait3A_35 = arith.constant 0 : i32
      %dma_wait3A_36 = tpu.memref_slice %arg5[%arg1, %dma_wait3A, %dma_wait3A_35] : memref<16x210x48xi32, #tpu.memory_space<hbm>> -> memref<1x210x48xi32, #tpu.memory_space<hbm>>
      %dma_wait3A_37 = tpu.memref_squeeze %dma_wait3A_36 : memref<1x210x48xi32, #tpu.memory_space<hbm>> -> memref<210x48xi32, #tpu.memory_space<hbm>>
      %dma_wait3A_38 = arith.constant 0 : i32
      %dma_wait3A_39 = arith.constant 0 : i32
      %dma_wait3A_40 = tpu.memref_slice %arg5[%arg1, %dma_wait3A_38, %dma_wait3A_39] : memref<16x210x48xi32, #tpu.memory_space<hbm>> -> memref<1x210x48xi32, #tpu.memory_space<hbm>>
      %dma_wait3A_41 = tpu.memref_squeeze %dma_wait3A_40 : memref<1x210x48xi32, #tpu.memory_space<hbm>> -> memref<210x48xi32, #tpu.memory_space<hbm>>
      tpu.wait_dma2 semaphore(%run_scoped3A : memref<!tpu.dma_semaphore, #tpu.memory_space<semaphore_mem>>) src(%dma_wait3A_41 : memref<210x48xi32, #tpu.memory_space<hbm>>) dst(%arg11 : memref<210x48xi32, #tpu.memory_space<vmem>>)
      tpu.yield
    }) : () -> ()
    %eq3A = arith.constant 0 : i32
    %eq3A_1 = arith.cmpi eq, %arg0, %eq3A : i32
    %convert_element_type3A = arith.extui %eq3A_1 : i1 to i32
    %cond3A = arith.constant 0 : i32
    %cond3A_2 = arith.cmpi ne, %convert_element_type3A, %cond3A : i32
    scf.if %cond3A_2 {
      %dma_start3A = arith.constant 0 : i32
      %dma_start3A_28 = arith.constant 0 : i32
      %dma_start3A_29 = tpu.memref_slice %arg10[%dma_start3A, %dma_start3A_28] : memref<210x48xi32, #tpu.memory_space<vmem>> -> memref<1x48xi32, #tpu.memory_space<vmem>>
      %dma_start3A_30 = tpu.memref_squeeze %dma_start3A_29 : memref<1x48xi32, #tpu.memory_space<vmem>> -> memref<48xi32, #tpu.memory_space<vmem>>
      %dma_start3A_31 = arith.constant 0 : i32
      %dma_start3A_32 = arith.constant 0 : i32
      %dma_start3A_33 = tpu.memref_slice %arg2[%dma_start3A_31, %dma_start3A_32] : memref<10000x128xf32, #tpu.memory_space<hbm>> -> memref<10000x128xf32, #tpu.memory_space<hbm>>
      tpu.enqueue_indirect_dma source(%dma_start3A_33 : memref<10000x128xf32, #tpu.memory_space<hbm>>) target(%arg12 : memref<48x128xf32, #tpu.memory_space<vmem>>) offsets(%dma_start3A_30 : memref<48xi32, #tpu.memory_space<vmem>>) semaphore(%arg14 : memref<!tpu.dma_semaphore, #tpu.memory_space<semaphore_mem>>)
      %dma_start3A_34 = arith.constant 1 : i32
      %dma_start3A_35 = arith.constant 0 : i32
      %dma_start3A_36 = tpu.memref_slice %arg10[%dma_start3A_34, %dma_start3A_35] : memref<210x48xi32, #tpu.memory_space<vmem>> -> memref<1x48xi32, #tpu.memory_space<vmem>>
      %dma_start3A_37 = tpu.memref_squeeze %dma_start3A_36 : memref<1x48xi32, #tpu.memory_space<vmem>> -> memref<48xi32, #tpu.memory_space<vmem>>
      %dma_start3A_38 = arith.constant 0 : i32
      %dma_start3A_39 = arith.constant 0 : i32
      %dma_start3A_40 = tpu.memref_slice %arg2[%dma_start3A_38, %dma_start3A_39] : memref<10000x128xf32, #tpu.memory_space<hbm>> -> memref<10000x128xf32, #tpu.memory_space<hbm>>
      tpu.enqueue_indirect_dma source(%dma_start3A_40 : memref<10000x128xf32, #tpu.memory_space<hbm>>) target(%arg13 : memref<48x128xf32, #tpu.memory_space<vmem>>) offsets(%dma_start3A_37 : memref<48xi32, #tpu.memory_space<vmem>>) semaphore(%arg15 : memref<!tpu.dma_semaphore, #tpu.memory_space<semaphore_mem>>)
    } else {
    }
    %eq3A_3 = arith.constant 1 : i32
    %eq3A_4 = arith.cmpi eq, %arg0, %eq3A_3 : i32
    %convert_element_type3A_5 = arith.extui %eq3A_4 : i1 to i32
    %cond3A_6 = arith.constant 0 : i32
    %cond3A_7 = arith.cmpi ne, %convert_element_type3A_5, %cond3A_6 : i32
    scf.if %cond3A_7 {
      %dma_start3A = arith.constant 0 : i32
      %dma_start3A_28 = arith.constant 0 : i32
      %dma_start3A_29 = tpu.memref_slice %arg10[%dma_start3A, %dma_start3A_28] : memref<210x48xi32, #tpu.memory_space<vmem>> -> memref<1x48xi32, #tpu.memory_space<vmem>>
      %dma_start3A_30 = tpu.memref_squeeze %dma_start3A_29 : memref<1x48xi32, #tpu.memory_space<vmem>> -> memref<48xi32, #tpu.memory_space<vmem>>
      %dma_start3A_31 = arith.constant 0 : i32
      %dma_start3A_32 = arith.constant 0 : i32
      %dma_start3A_33 = tpu.memref_slice %arg3[%dma_start3A_31, %dma_start3A_32] : memref<10000x128xf32, #tpu.memory_space<hbm>> -> memref<10000x128xf32, #tpu.memory_space<hbm>>
      tpu.enqueue_indirect_dma source(%dma_start3A_33 : memref<10000x128xf32, #tpu.memory_space<hbm>>) target(%arg12 : memref<48x128xf32, #tpu.memory_space<vmem>>) offsets(%dma_start3A_30 : memref<48xi32, #tpu.memory_space<vmem>>) semaphore(%arg14 : memref<!tpu.dma_semaphore, #tpu.memory_space<semaphore_mem>>)
      %dma_start3A_34 = arith.constant 1 : i32
      %dma_start3A_35 = arith.constant 0 : i32
      %dma_start3A_36 = tpu.memref_slice %arg10[%dma_start3A_34, %dma_start3A_35] : memref<210x48xi32, #tpu.memory_space<vmem>> -> memref<1x48xi32, #tpu.memory_space<vmem>>
      %dma_start3A_37 = tpu.memref_squeeze %dma_start3A_36 : memref<1x48xi32, #tpu.memory_space<vmem>> -> memref<48xi32, #tpu.memory_space<vmem>>
      %dma_start3A_38 = arith.constant 0 : i32
      %dma_start3A_39 = arith.constant 0 : i32
      %dma_start3A_40 = tpu.memref_slice %arg3[%dma_start3A_38, %dma_start3A_39] : memref<10000x128xf32, #tpu.memory_space<hbm>> -> memref<10000x128xf32, #tpu.memory_space<hbm>>
      tpu.enqueue_indirect_dma source(%dma_start3A_40 : memref<10000x128xf32, #tpu.memory_space<hbm>>) target(%arg13 : memref<48x128xf32, #tpu.memory_space<vmem>>) offsets(%dma_start3A_37 : memref<48xi32, #tpu.memory_space<vmem>>) semaphore(%arg15 : memref<!tpu.dma_semaphore, #tpu.memory_space<semaphore_mem>>)
    } else {
    }
    "tpu.region"() ({
      %run_scoped3A = tpu.sem_alloc : memref<!tpu.dma_semaphore, #tpu.memory_space<semaphore_mem>>
      %dma_start3A = arith.constant 0 : i32
      %dma_start3A_28 = tpu.memref_slice %arg9[%mul3A_0, %dma_start3A] : memref<10112x128xf32, #tpu.memory_space<vmem_shared>> -> memref<632x128xf32, #tpu.memory_space<vmem_shared>>
      tpu.enqueue_dma source(%arg6 : memref<632x128xf32, #tpu.memory_space<hbm>>) target(%dma_start3A_28 : memref<632x128xf32, #tpu.memory_space<vmem_shared>>) target_semaphore(%run_scoped3A : memref<!tpu.dma_semaphore, #tpu.memory_space<semaphore_mem>>)
      %dma_wait3A = arith.constant 0 : i32
      %dma_wait3A_29 = tpu.memref_slice %arg9[%mul3A_0, %dma_wait3A] : memref<10112x128xf32, #tpu.memory_space<vmem_shared>> -> memref<632x128xf32, #tpu.memory_space<vmem_shared>>
      tpu.wait_dma2 semaphore(%run_scoped3A : memref<!tpu.dma_semaphore, #tpu.memory_space<semaphore_mem>>) src(%arg6 : memref<632x128xf32, #tpu.memory_space<hbm>>) dst(%dma_wait3A_29 : memref<632x128xf32, #tpu.memory_space<vmem_shared>>)
      tpu.yield
    }) : () -> ()
    %barrier3A = arith.constant 0 : index
    tpu.barrier barrier_id(%barrier3A)
    %eq3A_8 = arith.constant 0 : i32
    %eq3A_9 = arith.cmpi eq, %arg0, %eq3A_8 : i32
    %convert_element_type3A_10 = arith.extui %eq3A_9 : i1 to i32
    %cond3A_11 = arith.constant 0 : i32
    %cond3A_12 = arith.cmpi ne, %convert_element_type3A_10, %cond3A_11 : i32
    scf.if %cond3A_12 {
      %scan3A = arith.constant 0 : i32
      %scan3A_28 = arith.constant 0 : i32
      %scan3A_29 = arith.constant 105 : i32
      %scan3A_30 = arith.addi %scan3A_28, %scan3A_29 : i32
      %scan3A_31 = arith.constant 1 : i32
      scf.for %scan3A_33 = %scan3A_28 to %scan3A_30 step %scan3A_31  : i32 {
        %mul3A_34 = arith.constant 2 : i32
        %mul3A_35 = arith.muli %mul3A_34, %scan3A_33 : i32
        %gt3A = arith.constant 0 : i32
        %gt3A_36 = arith.cmpi sgt, %scan3A_33, %gt3A : i32
        %convert_element_type3A_37 = arith.extui %gt3A_36 : i1 to i32
        %cond3A_38 = arith.constant 0 : i32
        %cond3A_39 = arith.cmpi ne, %convert_element_type3A_37, %cond3A_38 : i32
        scf.if %cond3A_39 {
          %add3A_61 = arith.constant 1 : i32
          %add3A_62 = arith.addi %mul3A_35, %add3A_61 : i32
          %dma_start3A = arith.constant 0 : i32
          %dma_start3A_63 = tpu.memref_slice %arg10[%add3A_62, %dma_start3A] : memref<210x48xi32, #tpu.memory_space<vmem>> -> memref<1x48xi32, #tpu.memory_space<vmem>>
          %dma_start3A_64 = tpu.memref_squeeze %dma_start3A_63 : memref<1x48xi32, #tpu.memory_space<vmem>> -> memref<48xi32, #tpu.memory_space<vmem>>
          %dma_start3A_65 = arith.constant 0 : i32
          %dma_start3A_66 = arith.constant 0 : i32
          %dma_start3A_67 = tpu.memref_slice %arg2[%dma_start3A_65, %dma_start3A_66] : memref<10000x128xf32, #tpu.memory_space<hbm>> -> memref<10000x128xf32, #tpu.memory_space<hbm>>
          tpu.enqueue_indirect_dma source(%dma_start3A_67 : memref<10000x128xf32, #tpu.memory_space<hbm>>) target(%arg13 : memref<48x128xf32, #tpu.memory_space<vmem>>) offsets(%dma_start3A_64 : memref<48xi32, #tpu.memory_space<vmem>>) semaphore(%arg15 : memref<!tpu.dma_semaphore, #tpu.memory_space<semaphore_mem>>)
        } else {
        }
        %dma_wait3A = arith.constant 0 : i32
        %dma_wait3A_40 = tpu.memref_slice %arg10[%mul3A_35, %dma_wait3A] : memref<210x48xi32, #tpu.memory_space<vmem>> -> memref<1x48xi32, #tpu.memory_space<vmem>>
        %dma_wait3A_41 = tpu.memref_squeeze %dma_wait3A_40 : memref<1x48xi32, #tpu.memory_space<vmem>> -> memref<48xi32, #tpu.memory_space<vmem>>
        %dma_wait3A_42 = arith.constant 0 : i32
        %dma_wait3A_43 = arith.constant 0 : i32
        %dma_wait3A_44 = tpu.memref_slice %arg2[%dma_wait3A_42, %dma_wait3A_43] : memref<10000x128xf32, #tpu.memory_space<hbm>> -> memref<10000x128xf32, #tpu.memory_space<hbm>>
        tpu.wait_indirect_dma semaphore(%arg14 : memref<!tpu.dma_semaphore, #tpu.memory_space<semaphore_mem>>) src(%dma_wait3A_44 : memref<10000x128xf32, #tpu.memory_space<hbm>>) dst(%arg12 : memref<48x128xf32, #tpu.memory_space<vmem>>)
        "tpu.region"() ({
          %run_scoped3A = tpu.sem_alloc : memref<!tpu.dma_semaphore, #tpu.memory_space<semaphore_mem>>
          %dma_start3A = arith.constant 0 : i32
          %dma_start3A_61 = tpu.memref_slice %arg11[%mul3A_35, %dma_start3A] : memref<210x48xi32, #tpu.memory_space<vmem>> -> memref<1x48xi32, #tpu.memory_space<vmem>>
          %dma_start3A_62 = tpu.memref_squeeze %dma_start3A_61 : memref<1x48xi32, #tpu.memory_space<vmem>> -> memref<48xi32, #tpu.memory_space<vmem>>
          %dma_start3A_63 = arith.constant 0 : i32
          %dma_start3A_64 = arith.constant 0 : i32
          %dma_start3A_65 = tpu.memref_slice %arg9[%dma_start3A_63, %dma_start3A_64] : memref<10112x128xf32, #tpu.memory_space<vmem_shared>> -> memref<10112x128xf32, #tpu.memory_space<vmem_shared>>
          tpu.enqueue_indirect_dma source(%arg12 : memref<48x128xf32, #tpu.memory_space<vmem>>) target(%dma_start3A_65 : memref<10112x128xf32, #tpu.memory_space<vmem_shared>>) offsets(%dma_start3A_62 : memref<48xi32, #tpu.memory_space<vmem>>) semaphore(%run_scoped3A : memref<!tpu.dma_semaphore, #tpu.memory_space<semaphore_mem>>) {add = true}
          %dma_wait3A_66 = arith.constant 0 : i32
          %dma_wait3A_67 = tpu.memref_slice %arg11[%mul3A_35, %dma_wait3A_66] : memref<210x48xi32, #tpu.memory_space<vmem>> -> memref<1x48xi32, #tpu.memory_space<vmem>>
          %dma_wait3A_68 = tpu.memref_squeeze %dma_wait3A_67 : memref<1x48xi32, #tpu.memory_space<vmem>> -> memref<48xi32, #tpu.memory_space<vmem>>
          %dma_wait3A_69 = arith.constant 0 : i32
          %dma_wait3A_70 = arith.constant 0 : i32
          %dma_wait3A_71 = tpu.memref_slice %arg9[%dma_wait3A_69, %dma_wait3A_70] : memref<10112x128xf32, #tpu.memory_space<vmem_shared>> -> memref<10112x128xf32, #tpu.memory_space<vmem_shared>>
          tpu.wait_indirect_dma semaphore(%run_scoped3A : memref<!tpu.dma_semaphore, #tpu.memory_space<semaphore_mem>>) src(%arg12 : memref<48x128xf32, #tpu.memory_space<vmem>>) dst(%dma_wait3A_71 : memref<10112x128xf32, #tpu.memory_space<vmem_shared>>)
          tpu.yield
        }) : () -> ()
        %add3A = arith.constant 2 : i32
        %add3A_45 = arith.addi %mul3A_35, %add3A : i32
        %lt3A_46 = arith.constant 210 : i32
        %lt3A_47 = arith.cmpi slt, %add3A_45, %lt3A_46 : i32
        %convert_element_type3A_48 = arith.extui %lt3A_47 : i1 to i32
        %cond3A_49 = arith.constant 0 : i32
        %cond3A_50 = arith.cmpi ne, %convert_element_type3A_48, %cond3A_49 : i32
        scf.if %cond3A_50 {
          %add3A_61 = arith.constant 2 : i32
          %add3A_62 = arith.addi %mul3A_35, %add3A_61 : i32
          %dma_start3A = arith.constant 0 : i32
          %dma_start3A_63 = tpu.memref_slice %arg10[%add3A_62, %dma_start3A] : memref<210x48xi32, #tpu.memory_space<vmem>> -> memref<1x48xi32, #tpu.memory_space<vmem>>
          %dma_start3A_64 = tpu.memref_squeeze %dma_start3A_63 : memref<1x48xi32, #tpu.memory_space<vmem>> -> memref<48xi32, #tpu.memory_space<vmem>>
          %dma_start3A_65 = arith.constant 0 : i32
          %dma_start3A_66 = arith.constant 0 : i32
          %dma_start3A_67 = tpu.memref_slice %arg2[%dma_start3A_65, %dma_start3A_66] : memref<10000x128xf32, #tpu.memory_space<hbm>> -> memref<10000x128xf32, #tpu.memory_space<hbm>>
          tpu.enqueue_indirect_dma source(%dma_start3A_67 : memref<10000x128xf32, #tpu.memory_space<hbm>>) target(%arg12 : memref<48x128xf32, #tpu.memory_space<vmem>>) offsets(%dma_start3A_64 : memref<48xi32, #tpu.memory_space<vmem>>) semaphore(%arg14 : memref<!tpu.dma_semaphore, #tpu.memory_space<semaphore_mem>>)
        } else {
        }
        %add3A_51 = arith.constant 1 : i32
        %add3A_52 = arith.addi %mul3A_35, %add3A_51 : i32
        %dma_wait3A_53 = arith.constant 0 : i32
        %dma_wait3A_54 = tpu.memref_slice %arg10[%add3A_52, %dma_wait3A_53] : memref<210x48xi32, #tpu.memory_space<vmem>> -> memref<1x48xi32, #tpu.memory_space<vmem>>
        %dma_wait3A_55 = tpu.memref_squeeze %dma_wait3A_54 : memref<1x48xi32, #tpu.memory_space<vmem>> -> memref<48xi32, #tpu.memory_space<vmem>>
        %dma_wait3A_56 = arith.constant 0 : i32
        %dma_wait3A_57 = arith.constant 0 : i32
        %dma_wait3A_58 = tpu.memref_slice %arg2[%dma_wait3A_56, %dma_wait3A_57] : memref<10000x128xf32, #tpu.memory_space<hbm>> -> memref<10000x128xf32, #tpu.memory_space<hbm>>
        tpu.wait_indirect_dma semaphore(%arg15 : memref<!tpu.dma_semaphore, #tpu.memory_space<semaphore_mem>>) src(%dma_wait3A_58 : memref<10000x128xf32, #tpu.memory_space<hbm>>) dst(%arg13 : memref<48x128xf32, #tpu.memory_space<vmem>>)
        %add3A_59 = arith.constant 1 : i32
        %add3A_60 = arith.addi %mul3A_35, %add3A_59 : i32
        "tpu.region"() ({
          %run_scoped3A = tpu.sem_alloc : memref<!tpu.dma_semaphore, #tpu.memory_space<semaphore_mem>>
          %dma_start3A = arith.constant 0 : i32
          %dma_start3A_61 = tpu.memref_slice %arg11[%add3A_60, %dma_start3A] : memref<210x48xi32, #tpu.memory_space<vmem>> -> memref<1x48xi32, #tpu.memory_space<vmem>>
          %dma_start3A_62 = tpu.memref_squeeze %dma_start3A_61 : memref<1x48xi32, #tpu.memory_space<vmem>> -> memref<48xi32, #tpu.memory_space<vmem>>
          %dma_start3A_63 = arith.constant 0 : i32
          %dma_start3A_64 = arith.constant 0 : i32
          %dma_start3A_65 = tpu.memref_slice %arg9[%dma_start3A_63, %dma_start3A_64] : memref<10112x128xf32, #tpu.memory_space<vmem_shared>> -> memref<10112x128xf32, #tpu.memory_space<vmem_shared>>
          tpu.enqueue_indirect_dma source(%arg13 : memref<48x128xf32, #tpu.memory_space<vmem>>) target(%dma_start3A_65 : memref<10112x128xf32, #tpu.memory_space<vmem_shared>>) offsets(%dma_start3A_62 : memref<48xi32, #tpu.memory_space<vmem>>) semaphore(%run_scoped3A : memref<!tpu.dma_semaphore, #tpu.memory_space<semaphore_mem>>) {add = true}
          %dma_wait3A_66 = arith.constant 0 : i32
          %dma_wait3A_67 = tpu.memref_slice %arg11[%add3A_60, %dma_wait3A_66] : memref<210x48xi32, #tpu.memory_space<vmem>> -> memref<1x48xi32, #tpu.memory_space<vmem>>
          %dma_wait3A_68 = tpu.memref_squeeze %dma_wait3A_67 : memref<1x48xi32, #tpu.memory_space<vmem>> -> memref<48xi32, #tpu.memory_space<vmem>>
          %dma_wait3A_69 = arith.constant 0 : i32
          %dma_wait3A_70 = arith.constant 0 : i32
          %dma_wait3A_71 = tpu.memref_slice %arg9[%dma_wait3A_69, %dma_wait3A_70] : memref<10112x128xf32, #tpu.memory_space<vmem_shared>> -> memref<10112x128xf32, #tpu.memory_space<vmem_shared>>
          tpu.wait_indirect_dma semaphore(%run_scoped3A : memref<!tpu.dma_semaphore, #tpu.memory_space<semaphore_mem>>) src(%arg13 : memref<48x128xf32, #tpu.memory_space<vmem>>) dst(%dma_wait3A_71 : memref<10112x128xf32, #tpu.memory_space<vmem_shared>>)
          tpu.yield
        }) : () -> ()
      }
      %scan3A_32 = arith.constant 105 : i32
    } else {
    }
    %eq3A_13 = arith.constant 1 : i32
    %eq3A_14 = arith.cmpi eq, %arg0, %eq3A_13 : i32
    %convert_element_type3A_15 = arith.extui %eq3A_14 : i1 to i32
    %cond3A_16 = arith.constant 0 : i32
    %cond3A_17 = arith.cmpi ne, %convert_element_type3A_15, %cond3A_16 : i32
    scf.if %cond3A_17 {
      %scan3A = arith.constant 0 : i32
      %scan3A_28 = arith.constant 0 : i32
      %scan3A_29 = arith.constant 105 : i32
      %scan3A_30 = arith.addi %scan3A_28, %scan3A_29 : i32
      %scan3A_31 = arith.constant 1 : i32
      scf.for %scan3A_33 = %scan3A_28 to %scan3A_30 step %scan3A_31  : i32 {
        %mul3A_34 = arith.constant 2 : i32
        %mul3A_35 = arith.muli %mul3A_34, %scan3A_33 : i32
        %gt3A = arith.constant 0 : i32
        %gt3A_36 = arith.cmpi sgt, %scan3A_33, %gt3A : i32
        %convert_element_type3A_37 = arith.extui %gt3A_36 : i1 to i32
        %cond3A_38 = arith.constant 0 : i32
        %cond3A_39 = arith.cmpi ne, %convert_element_type3A_37, %cond3A_38 : i32
        scf.if %cond3A_39 {
          %add3A_61 = arith.constant 1 : i32
          %add3A_62 = arith.addi %mul3A_35, %add3A_61 : i32
          %dma_start3A = arith.constant 0 : i32
          %dma_start3A_63 = tpu.memref_slice %arg10[%add3A_62, %dma_start3A] : memref<210x48xi32, #tpu.memory_space<vmem>> -> memref<1x48xi32, #tpu.memory_space<vmem>>
          %dma_start3A_64 = tpu.memref_squeeze %dma_start3A_63 : memref<1x48xi32, #tpu.memory_space<vmem>> -> memref<48xi32, #tpu.memory_space<vmem>>
          %dma_start3A_65 = arith.constant 0 : i32
          %dma_start3A_66 = arith.constant 0 : i32
          %dma_start3A_67 = tpu.memref_slice %arg3[%dma_start3A_65, %dma_start3A_66] : memref<10000x128xf32, #tpu.memory_space<hbm>> -> memref<10000x128xf32, #tpu.memory_space<hbm>>
          tpu.enqueue_indirect_dma source(%dma_start3A_67 : memref<10000x128xf32, #tpu.memory_space<hbm>>) target(%arg13 : memref<48x128xf32, #tpu.memory_space<vmem>>) offsets(%dma_start3A_64 : memref<48xi32, #tpu.memory_space<vmem>>) semaphore(%arg15 : memref<!tpu.dma_semaphore, #tpu.memory_space<semaphore_mem>>)
        } else {
        }
        %dma_wait3A = arith.constant 0 : i32
        %dma_wait3A_40 = tpu.memref_slice %arg10[%mul3A_35, %dma_wait3A] : memref<210x48xi32, #tpu.memory_space<vmem>> -> memref<1x48xi32, #tpu.memory_space<vmem>>
        %dma_wait3A_41 = tpu.memref_squeeze %dma_wait3A_40 : memref<1x48xi32, #tpu.memory_space<vmem>> -> memref<48xi32, #tpu.memory_space<vmem>>
        %dma_wait3A_42 = arith.constant 0 : i32
        %dma_wait3A_43 = arith.constant 0 : i32
        %dma_wait3A_44 = tpu.memref_slice %arg3[%dma_wait3A_42, %dma_wait3A_43] : memref<10000x128xf32, #tpu.memory_space<hbm>> -> memref<10000x128xf32, #tpu.memory_space<hbm>>
        tpu.wait_indirect_dma semaphore(%arg14 : memref<!tpu.dma_semaphore, #tpu.memory_space<semaphore_mem>>) src(%dma_wait3A_44 : memref<10000x128xf32, #tpu.memory_space<hbm>>) dst(%arg12 : memref<48x128xf32, #tpu.memory_space<vmem>>)
        "tpu.region"() ({
          %run_scoped3A = tpu.sem_alloc : memref<!tpu.dma_semaphore, #tpu.memory_space<semaphore_mem>>
          %dma_start3A = arith.constant 0 : i32
          %dma_start3A_61 = tpu.memref_slice %arg11[%mul3A_35, %dma_start3A] : memref<210x48xi32, #tpu.memory_space<vmem>> -> memref<1x48xi32, #tpu.memory_space<vmem>>
          %dma_start3A_62 = tpu.memref_squeeze %dma_start3A_61 : memref<1x48xi32, #tpu.memory_space<vmem>> -> memref<48xi32, #tpu.memory_space<vmem>>
          %dma_start3A_63 = arith.constant 0 : i32
          %dma_start3A_64 = arith.constant 0 : i32
          %dma_start3A_65 = tpu.memref_slice %arg9[%dma_start3A_63, %dma_start3A_64] : memref<10112x128xf32, #tpu.memory_space<vmem_shared>> -> memref<10112x128xf32, #tpu.memory_space<vmem_shared>>
          tpu.enqueue_indirect_dma source(%arg12 : memref<48x128xf32, #tpu.memory_space<vmem>>) target(%dma_start3A_65 : memref<10112x128xf32, #tpu.memory_space<vmem_shared>>) offsets(%dma_start3A_62 : memref<48xi32, #tpu.memory_space<vmem>>) semaphore(%run_scoped3A : memref<!tpu.dma_semaphore, #tpu.memory_space<semaphore_mem>>) {add = true}
          %dma_wait3A_66 = arith.constant 0 : i32
          %dma_wait3A_67 = tpu.memref_slice %arg11[%mul3A_35, %dma_wait3A_66] : memref<210x48xi32, #tpu.memory_space<vmem>> -> memref<1x48xi32, #tpu.memory_space<vmem>>
          %dma_wait3A_68 = tpu.memref_squeeze %dma_wait3A_67 : memref<1x48xi32, #tpu.memory_space<vmem>> -> memref<48xi32, #tpu.memory_space<vmem>>
          %dma_wait3A_69 = arith.constant 0 : i32
          %dma_wait3A_70 = arith.constant 0 : i32
          %dma_wait3A_71 = tpu.memref_slice %arg9[%dma_wait3A_69, %dma_wait3A_70] : memref<10112x128xf32, #tpu.memory_space<vmem_shared>> -> memref<10112x128xf32, #tpu.memory_space<vmem_shared>>
          tpu.wait_indirect_dma semaphore(%run_scoped3A : memref<!tpu.dma_semaphore, #tpu.memory_space<semaphore_mem>>) src(%arg12 : memref<48x128xf32, #tpu.memory_space<vmem>>) dst(%dma_wait3A_71 : memref<10112x128xf32, #tpu.memory_space<vmem_shared>>)
          tpu.yield
        }) : () -> ()
        %add3A = arith.constant 2 : i32
        %add3A_45 = arith.addi %mul3A_35, %add3A : i32
        %lt3A_46 = arith.constant 210 : i32
        %lt3A_47 = arith.cmpi slt, %add3A_45, %lt3A_46 : i32
        %convert_element_type3A_48 = arith.extui %lt3A_47 : i1 to i32
        %cond3A_49 = arith.constant 0 : i32
        %cond3A_50 = arith.cmpi ne, %convert_element_type3A_48, %cond3A_49 : i32
        scf.if %cond3A_50 {
          %add3A_61 = arith.constant 2 : i32
          %add3A_62 = arith.addi %mul3A_35, %add3A_61 : i32
          %dma_start3A = arith.constant 0 : i32
          %dma_start3A_63 = tpu.memref_slice %arg10[%add3A_62, %dma_start3A] : memref<210x48xi32, #tpu.memory_space<vmem>> -> memref<1x48xi32, #tpu.memory_space<vmem>>
          %dma_start3A_64 = tpu.memref_squeeze %dma_start3A_63 : memref<1x48xi32, #tpu.memory_space<vmem>> -> memref<48xi32, #tpu.memory_space<vmem>>
          %dma_start3A_65 = arith.constant 0 : i32
          %dma_start3A_66 = arith.constant 0 : i32
          %dma_start3A_67 = tpu.memref_slice %arg3[%dma_start3A_65, %dma_start3A_66] : memref<10000x128xf32, #tpu.memory_space<hbm>> -> memref<10000x128xf32, #tpu.memory_space<hbm>>
          tpu.enqueue_indirect_dma source(%dma_start3A_67 : memref<10000x128xf32, #tpu.memory_space<hbm>>) target(%arg12 : memref<48x128xf32, #tpu.memory_space<vmem>>) offsets(%dma_start3A_64 : memref<48xi32, #tpu.memory_space<vmem>>) semaphore(%arg14 : memref<!tpu.dma_semaphore, #tpu.memory_space<semaphore_mem>>)
        } else {
        }
        %add3A_51 = arith.constant 1 : i32
        %add3A_52 = arith.addi %mul3A_35, %add3A_51 : i32
        %dma_wait3A_53 = arith.constant 0 : i32
        %dma_wait3A_54 = tpu.memref_slice %arg10[%add3A_52, %dma_wait3A_53] : memref<210x48xi32, #tpu.memory_space<vmem>> -> memref<1x48xi32, #tpu.memory_space<vmem>>
        %dma_wait3A_55 = tpu.memref_squeeze %dma_wait3A_54 : memref<1x48xi32, #tpu.memory_space<vmem>> -> memref<48xi32, #tpu.memory_space<vmem>>
        %dma_wait3A_56 = arith.constant 0 : i32
        %dma_wait3A_57 = arith.constant 0 : i32
        %dma_wait3A_58 = tpu.memref_slice %arg3[%dma_wait3A_56, %dma_wait3A_57] : memref<10000x128xf32, #tpu.memory_space<hbm>> -> memref<10000x128xf32, #tpu.memory_space<hbm>>
        tpu.wait_indirect_dma semaphore(%arg15 : memref<!tpu.dma_semaphore, #tpu.memory_space<semaphore_mem>>) src(%dma_wait3A_58 : memref<10000x128xf32, #tpu.memory_space<hbm>>) dst(%arg13 : memref<48x128xf32, #tpu.memory_space<vmem>>)
        %add3A_59 = arith.constant 1 : i32
        %add3A_60 = arith.addi %mul3A_35, %add3A_59 : i32
        "tpu.region"() ({
          %run_scoped3A = tpu.sem_alloc : memref<!tpu.dma_semaphore, #tpu.memory_space<semaphore_mem>>
          %dma_start3A = arith.constant 0 : i32
          %dma_start3A_61 = tpu.memref_slice %arg11[%add3A_60, %dma_start3A] : memref<210x48xi32, #tpu.memory_space<vmem>> -> memref<1x48xi32, #tpu.memory_space<vmem>>
          %dma_start3A_62 = tpu.memref_squeeze %dma_start3A_61 : memref<1x48xi32, #tpu.memory_space<vmem>> -> memref<48xi32, #tpu.memory_space<vmem>>
          %dma_start3A_63 = arith.constant 0 : i32
          %dma_start3A_64 = arith.constant 0 : i32
          %dma_start3A_65 = tpu.memref_slice %arg9[%dma_start3A_63, %dma_start3A_64] : memref<10112x128xf32, #tpu.memory_space<vmem_shared>> -> memref<10112x128xf32, #tpu.memory_space<vmem_shared>>
          tpu.enqueue_indirect_dma source(%arg13 : memref<48x128xf32, #tpu.memory_space<vmem>>) target(%dma_start3A_65 : memref<10112x128xf32, #tpu.memory_space<vmem_shared>>) offsets(%dma_start3A_62 : memref<48xi32, #tpu.memory_space<vmem>>) semaphore(%run_scoped3A : memref<!tpu.dma_semaphore, #tpu.memory_space<semaphore_mem>>) {add = true}
          %dma_wait3A_66 = arith.constant 0 : i32
          %dma_wait3A_67 = tpu.memref_slice %arg11[%add3A_60, %dma_wait3A_66] : memref<210x48xi32, #tpu.memory_space<vmem>> -> memref<1x48xi32, #tpu.memory_space<vmem>>
          %dma_wait3A_68 = tpu.memref_squeeze %dma_wait3A_67 : memref<1x48xi32, #tpu.memory_space<vmem>> -> memref<48xi32, #tpu.memory_space<vmem>>
          %dma_wait3A_69 = arith.constant 0 : i32
          %dma_wait3A_70 = arith.constant 0 : i32
          %dma_wait3A_71 = tpu.memref_slice %arg9[%dma_wait3A_69, %dma_wait3A_70] : memref<10112x128xf32, #tpu.memory_space<vmem_shared>> -> memref<10112x128xf32, #tpu.memory_space<vmem_shared>>
          tpu.wait_indirect_dma semaphore(%run_scoped3A : memref<!tpu.dma_semaphore, #tpu.memory_space<semaphore_mem>>) src(%arg13 : memref<48x128xf32, #tpu.memory_space<vmem>>) dst(%dma_wait3A_71 : memref<10112x128xf32, #tpu.memory_space<vmem_shared>>)
          tpu.yield
        }) : () -> ()
      }
      %scan3A_32 = arith.constant 105 : i32
    } else {
    }
    %barrier3A_18 = arith.constant 0 : index
    tpu.barrier barrier_id(%barrier3A_18)
    %lt3A = arith.constant 15 : i32
    %lt3A_19 = arith.cmpi slt, %arg1, %lt3A : i32
    %convert_element_type3A_20 = arith.extui %lt3A_19 : i1 to i32
    %cond3A_21 = arith.constant 0 : i32
    %cond3A_22 = arith.cmpi ne, %convert_element_type3A_20, %cond3A_21 : i32
    scf.if %cond3A_22 {
      "tpu.region"() ({
        %run_scoped3A = tpu.sem_alloc : memref<!tpu.dma_semaphore, #tpu.memory_space<semaphore_mem>>
        %dma_start3A = arith.constant 0 : i32
        %dma_start3A_28 = tpu.memref_slice %arg8[%arg0, %mul3A_0, %dma_start3A] : memref<2x10000x128xf32, #tpu.memory_space<hbm>> -> memref<1x632x128xf32, #tpu.memory_space<hbm>>
        %dma_start3A_29 = tpu.memref_squeeze %dma_start3A_28 : memref<1x632x128xf32, #tpu.memory_space<hbm>> -> memref<632x128xf32, #tpu.memory_space<hbm>>
        %dma_start3A_30 = arith.constant 0 : i32
        %dma_start3A_31 = tpu.memref_slice %arg9[%mul3A_0, %dma_start3A_30] : memref<10112x128xf32, #tpu.memory_space<vmem_shared>> -> memref<632x128xf32, #tpu.memory_space<vmem_shared>>
        tpu.enqueue_dma source(%dma_start3A_31 : memref<632x128xf32, #tpu.memory_space<vmem_shared>>) target(%dma_start3A_29 : memref<632x128xf32, #tpu.memory_space<hbm>>) target_semaphore(%run_scoped3A : memref<!tpu.dma_semaphore, #tpu.memory_space<semaphore_mem>>)
        %dma_wait3A = arith.constant 0 : i32
        %dma_wait3A_32 = tpu.memref_slice %arg8[%arg0, %mul3A_0, %dma_wait3A] : memref<2x10000x128xf32, #tpu.memory_space<hbm>> -> memref<1x632x128xf32, #tpu.memory_space<hbm>>
        %dma_wait3A_33 = tpu.memref_squeeze %dma_wait3A_32 : memref<1x632x128xf32, #tpu.memory_space<hbm>> -> memref<632x128xf32, #tpu.memory_space<hbm>>
        %dma_wait3A_34 = arith.constant 0 : i32
        %dma_wait3A_35 = tpu.memref_slice %arg9[%mul3A_0, %dma_wait3A_34] : memref<10112x128xf32, #tpu.memory_space<vmem_shared>> -> memref<632x128xf32, #tpu.memory_space<vmem_shared>>
        tpu.wait_dma2 semaphore(%run_scoped3A : memref<!tpu.dma_semaphore, #tpu.memory_space<semaphore_mem>>) src(%dma_wait3A_35 : memref<632x128xf32, #tpu.memory_space<vmem_shared>>) dst(%dma_wait3A_33 : memref<632x128xf32, #tpu.memory_space<hbm>>)
        tpu.yield
      }) : () -> ()
    } else {
    }
    %eq3A_23 = arith.constant 15 : i32
    %eq3A_24 = arith.cmpi eq, %arg1, %eq3A_23 : i32
    %convert_element_type3A_25 = arith.extui %eq3A_24 : i1 to i32
    %cond3A_26 = arith.constant 0 : i32
    %cond3A_27 = arith.cmpi ne, %convert_element_type3A_25, %cond3A_26 : i32
    scf.if %cond3A_27 {
      "tpu.region"() ({
        %run_scoped3A = tpu.sem_alloc : memref<!tpu.dma_semaphore, #tpu.memory_space<semaphore_mem>>
        %dma_start3A = arith.constant 9480 : i32
        %dma_start3A_28 = arith.constant 0 : i32
        %dma_start3A_29 = tpu.memref_slice %arg8[%arg0, %dma_start3A, %dma_start3A_28] : memref<2x10000x128xf32, #tpu.memory_space<hbm>> -> memref<1x520x128xf32, #tpu.memory_space<hbm>>
        %dma_start3A_30 = tpu.memref_squeeze %dma_start3A_29 : memref<1x520x128xf32, #tpu.memory_space<hbm>> -> memref<520x128xf32, #tpu.memory_space<hbm>>
        %dma_start3A_31 = arith.constant 9480 : i32
        %dma_start3A_32 = arith.constant 0 : i32
        %dma_start3A_33 = tpu.memref_slice %arg9[%dma_start3A_31, %dma_start3A_32] : memref<10112x128xf32, #tpu.memory_space<vmem_shared>> -> memref<520x128xf32, #tpu.memory_space<vmem_shared>>
        tpu.enqueue_dma source(%dma_start3A_33 : memref<520x128xf32, #tpu.memory_space<vmem_shared>>) target(%dma_start3A_30 : memref<520x128xf32, #tpu.memory_space<hbm>>) target_semaphore(%run_scoped3A : memref<!tpu.dma_semaphore, #tpu.memory_space<semaphore_mem>>)
        %dma_wait3A = arith.constant 9480 : i32
        %dma_wait3A_34 = arith.constant 0 : i32
        %dma_wait3A_35 = tpu.memref_slice %arg8[%arg0, %dma_wait3A, %dma_wait3A_34] : memref<2x10000x128xf32, #tpu.memory_space<hbm>> -> memref<1x520x128xf32, #tpu.memory_space<hbm>>
        %dma_wait3A_36 = tpu.memref_squeeze %dma_wait3A_35 : memref<1x520x128xf32, #tpu.memory_space<hbm>> -> memref<520x128xf32, #tpu.memory_space<hbm>>
        %dma_wait3A_37 = arith.constant 9480 : i32
        %dma_wait3A_38 = arith.constant 0 : i32
        %dma_wait3A_39 = tpu.memref_slice %arg9[%dma_wait3A_37, %dma_wait3A_38] : memref<10112x128xf32, #tpu.memory_space<vmem_shared>> -> memref<520x128xf32, #tpu.memory_space<vmem_shared>>
        tpu.wait_dma2 semaphore(%run_scoped3A : memref<!tpu.dma_semaphore, #tpu.memory_space<semaphore_mem>>) src(%dma_wait3A_39 : memref<520x128xf32, #tpu.memory_space<vmem_shared>>) dst(%dma_wait3A_36 : memref<520x128xf32, #tpu.memory_space<hbm>>)
        tpu.yield
      }) : () -> ()
    } else {
    }
    return
  }
}

module attributes {stable_mosaic.version = 14 : i64} {
  func.func @_l1_body(%arg0: i32, %arg1: memref<2x1000x128xf32, #tpu.memory_space<vmem>>, %arg2: memref<2x1000x8xf32, #tpu.memory_space<vmem>>, %arg3: memref<1000x256xf32, #tpu.memory_space<vmem>>, %arg4: memref<256x256xf32, #tpu.memory_space<vmem>>, %arg5: memref<1x256xf32, #tpu.memory_space<vmem>>, %arg6: memref<256x256xf32, #tpu.memory_space<vmem>>, %arg7: memref<1000x128xf32, #tpu.memory_space<vmem>>, %arg8: memref<1000x128xf32, #tpu.memory_space<vmem>>, %arg9: memref<2x256xf32, #tpu.memory_space<vmem>>) attributes {dimension_semantics = [#tpu.dimension_semantics<arbitrary>], iteration_bounds = array<i64: 10>, scalar_prefetch = 0 : i64, scratch_operands = 0 : i64, tpu.core_type = #tpu.core_type<tc>, window_params = [{transform_indices = @transform_0, window_bounds = array<i64: 2, 1000, 128>}, {transform_indices = @transform_1, window_bounds = array<i64: 2, 1000, 8>}, {transform_indices = @transform_2, window_bounds = array<i64: 1000, 256>}, {pipeline_mode = #tpu.pipeline_mode<synchronous>, transform_indices = @transform_3, window_bounds = array<i64: 256, 256>}, {pipeline_mode = #tpu.pipeline_mode<synchronous>, transform_indices = @transform_4, window_bounds = array<i64: 1, 256>}, {pipeline_mode = #tpu.pipeline_mode<synchronous>, transform_indices = @transform_5, window_bounds = array<i64: 256, 256>}, {transform_indices = @transform_6, window_bounds = array<i64: 1000, 128>}, {transform_indices = @transform_7, window_bounds = array<i64: 1000, 128>}, {pipeline_mode = #tpu.pipeline_mode<synchronous>, transform_indices = @transform_8, window_bounds = array<i64: 2, 256>}]} {
    %get3A = arith.constant 0 : index
    %get3A_0 = arith.constant 0 : index
    %get3A_1 = arith.constant 0 : index
    %get3A_2 = vector.load %arg1[%get3A, %get3A_0, %get3A_1] : memref<2x1000x128xf32, #tpu.memory_space<vmem>>, vector<2x1000x128xf32>
    %slice3A = vector.extract_strided_slice %get3A_2 {offsets = [0, 0, 0], sizes = [1, 1000, 128], strides = [1, 1, 1]} : vector<2x1000x128xf32> to vector<1x1000x128xf32>
    %squeeze3A = vector.shape_cast %slice3A : vector<1x1000x128xf32> to vector<1000x128xf32>
    %slice3A_3 = vector.extract_strided_slice %get3A_2 {offsets = [1, 0, 0], sizes = [1, 1000, 128], strides = [1, 1, 1]} : vector<2x1000x128xf32> to vector<1x1000x128xf32>
    %squeeze3A_4 = vector.shape_cast %slice3A_3 : vector<1x1000x128xf32> to vector<1000x128xf32>
    %concatenate3A = tpu.concatenate %squeeze3A, %squeeze3A_4 in 1 : vector<1000x128xf32>, vector<1000x128xf32> -> vector<1000x256xf32>
    %get3A_5 = arith.constant 0 : index
    %get3A_6 = arith.constant 0 : index
    %get3A_7 = arith.constant 0 : index
    %get3A_8 = vector.load %arg2[%get3A_5, %get3A_6, %get3A_7] : memref<2x1000x8xf32, #tpu.memory_space<vmem>>, vector<2x1000x8xf32>
    %slice3A_9 = vector.extract_strided_slice %get3A_8 {offsets = [0, 0, 0], sizes = [1, 1000, 1], strides = [1, 1, 1]} : vector<2x1000x8xf32> to vector<1x1000x1xf32>
    %squeeze3A_10 = vector.shape_cast %slice3A_9 : vector<1x1000x1xf32> to vector<1000x1xf32>
    %slice3A_11 = vector.extract_strided_slice %get3A_8 {offsets = [1, 0, 0], sizes = [1, 1000, 1], strides = [1, 1, 1]} : vector<2x1000x8xf32> to vector<1x1000x1xf32>
    %squeeze3A_12 = vector.shape_cast %slice3A_11 : vector<1x1000x1xf32> to vector<1000x1xf32>
    %add3A = arith.addf %squeeze3A_10, %squeeze3A_12 : vector<1000x1xf32>
    %max3A = arith.constant 1.000000e+00 : f32
    %max3A_13 = vector.broadcast %max3A : f32 to vector<1000x1xf32>
    %max3A_14 = arith.maximumf %add3A, %max3A_13 : vector<1000x1xf32>
    %div3A = vector.broadcast %max3A_14 : vector<1000x1xf32> to vector<1000x256xf32>
    %div3A_15 = arith.divf %concatenate3A, %div3A : vector<1000x256xf32>
    %get3A_16 = arith.constant 0 : index
    %get3A_17 = arith.constant 0 : index
    %get3A_18 = vector.load %arg4[%get3A_16, %get3A_17] : memref<256x256xf32, #tpu.memory_space<vmem>>, vector<256x256xf32>
    %dot_general3A = arith.constant dense<0.000000e+00> : vector<1000x256xf32>
    %dot_general3A_19 = tpu.matmul %div3A_15, %get3A_18, %dot_general3A {dimension_numbers = #tpu.dot_dimension_numbers<[1], [0], [0], [1], [0, 0, 1, 1], [], []>, transpose_lhs_hint = false} : vector<1000x256xf32>, vector<256x256xf32>, vector<1000x256xf32> -> vector<1000x256xf32>
    %get3A_20 = arith.constant 0 : index
    %get3A_21 = arith.constant 0 : index
    %get3A_22 = vector.load %arg3[%get3A_20, %get3A_21] : memref<1000x256xf32, #tpu.memory_space<vmem>>, vector<1000x256xf32>
    %get3A_23 = arith.constant 0 : index
    %get3A_24 = arith.constant 0 : index
    %get3A_25 = vector.load %arg6[%get3A_23, %get3A_24] : memref<256x256xf32, #tpu.memory_space<vmem>>, vector<256x256xf32>
    %dot_general3A_26 = arith.constant dense<0.000000e+00> : vector<1000x256xf32>
    %dot_general3A_27 = tpu.matmul %get3A_22, %get3A_25, %dot_general3A_26 {dimension_numbers = #tpu.dot_dimension_numbers<[1], [0], [0], [1], [0, 0, 1, 1], [], []>, transpose_lhs_hint = false} : vector<1000x256xf32>, vector<256x256xf32>, vector<1000x256xf32> -> vector<1000x256xf32>
    %add3A_28 = arith.addf %dot_general3A_19, %dot_general3A_27 : vector<1000x256xf32>
    %get3A_29 = arith.constant 0 : index
    %get3A_30 = arith.constant 0 : index
    %get3A_31 = vector.load %arg5[%get3A_29, %get3A_30] : memref<1x256xf32, #tpu.memory_space<vmem>>, vector<1x256xf32>
    %add3A_32 = vector.broadcast %get3A_31 : vector<1x256xf32> to vector<1000x256xf32>
    %add3A_33 = arith.addf %add3A_28, %add3A_32 : vector<1000x256xf32>
    %mul3A = arith.mulf %add3A_33, %add3A_33 : vector<1000x256xf32>
    %reduce_sum3A = arith.constant dense<0.000000e+00> : vector<1000xf32>
    %reduce_sum3A_34 = vector.multi_reduction <add>, %mul3A, %reduce_sum3A [1] : vector<1000x256xf32> to vector<1000xf32>
    %broadcast_in_dim3A = vector.shape_cast %reduce_sum3A_34 : vector<1000xf32> to vector<1000x1xf32>
    %sqrt3A = math.sqrt %broadcast_in_dim3A : vector<1000x1xf32>
    %max3A_35 = arith.constant 9.99999996E-13 : f32
    %max3A_36 = vector.broadcast %max3A_35 : f32 to vector<1000x1xf32>
    %max3A_37 = arith.maximumf %sqrt3A, %max3A_36 : vector<1000x1xf32>
    %div3A_38 = vector.broadcast %max3A_37 : vector<1000x1xf32> to vector<1000x256xf32>
    %div3A_39 = arith.divf %add3A_33, %div3A_38 : vector<1000x256xf32>
    %max3A_40 = arith.constant 0.000000e+00 : f32
    %max3A_41 = vector.broadcast %max3A_40 : f32 to vector<1000x256xf32>
    %max3A_42 = arith.maximumf %div3A_39, %max3A_41 : vector<1000x256xf32>
    %slice3A_43 = vector.extract_strided_slice %max3A_42 {offsets = [0, 0], sizes = [1000, 128], strides = [1, 1]} : vector<1000x256xf32> to vector<1000x128xf32>
    %swap3A = arith.constant 0 : index
    %swap3A_44 = arith.constant 0 : index
    %swap3A_45 = vector.load %arg7[%swap3A, %swap3A_44] : memref<1000x128xf32, #tpu.memory_space<vmem>>, vector<1000x128xf32>
    tpu.vector_store %arg7[%swap3A, %swap3A_44], %slice3A_43 {strides = array<i32>} : memref<1000x128xf32, #tpu.memory_space<vmem>>, vector<1000x128xf32>,
    %slice3A_46 = vector.extract_strided_slice %max3A_42 {offsets = [0, 128], sizes = [1000, 128], strides = [1, 1]} : vector<1000x256xf32> to vector<1000x128xf32>
    %swap3A_47 = arith.constant 0 : index
    %swap3A_48 = arith.constant 0 : index
    %swap3A_49 = vector.load %arg8[%swap3A_47, %swap3A_48] : memref<1000x128xf32, #tpu.memory_space<vmem>>, vector<1000x128xf32>
    tpu.vector_store %arg8[%swap3A_47, %swap3A_48], %slice3A_46 {strides = array<i32>} : memref<1000x128xf32, #tpu.memory_space<vmem>>, vector<1000x128xf32>,
    %reduce_sum3A_50 = arith.constant dense<0.000000e+00> : vector<256xf32>
    %reduce_sum3A_51 = vector.multi_reduction <add>, %max3A_42, %reduce_sum3A_50 [0] : vector<1000x256xf32> to vector<256xf32>
    %broadcast_in_dim3A_52 = vector.shape_cast %reduce_sum3A_51 : vector<256xf32> to vector<1x256xf32>
    %mul3A_53 = arith.mulf %max3A_42, %max3A_42 : vector<1000x256xf32>
    %reduce_sum3A_54 = arith.constant dense<0.000000e+00> : vector<256xf32>
    %reduce_sum3A_55 = vector.multi_reduction <add>, %mul3A_53, %reduce_sum3A_54 [0] : vector<1000x256xf32> to vector<256xf32>
    %broadcast_in_dim3A_56 = vector.shape_cast %reduce_sum3A_55 : vector<256xf32> to vector<1x256xf32>
    %concatenate3A_57 = tpu.concatenate %broadcast_in_dim3A_52, %broadcast_in_dim3A_56 in 0 : vector<1x256xf32>, vector<1x256xf32> -> vector<2x256xf32>
    %eq3A = arith.constant 0 : i32
    %eq3A_58 = arith.cmpi eq, %arg0, %eq3A : i32
    %convert_element_type3A = arith.extui %eq3A_58 : i1 to i32
    %cond3A = arith.constant 0 : i32
    %cond3A_59 = arith.cmpi ne, %convert_element_type3A, %cond3A : i32
    scf.if %cond3A_59 {
      %swap3A_64 = arith.constant 0 : index
      %swap3A_65 = arith.constant 0 : index
      %swap3A_66 = vector.load %arg9[%swap3A_64, %swap3A_65] : memref<2x256xf32, #tpu.memory_space<vmem>>, vector<2x256xf32>
      tpu.vector_store %arg9[%swap3A_64, %swap3A_65], %concatenate3A_57 {strides = array<i32>} : memref<2x256xf32, #tpu.memory_space<vmem>>, vector<2x256xf32>,
    } else {
    }
    %gt3A = arith.constant 0 : i32
    %gt3A_60 = arith.cmpi sgt, %arg0, %gt3A : i32
    %convert_element_type3A_61 = arith.extui %gt3A_60 : i1 to i32
    %cond3A_62 = arith.constant 0 : i32
    %cond3A_63 = arith.cmpi ne, %convert_element_type3A_61, %cond3A_62 : i32
    scf.if %cond3A_63 {
      %get3A_64 = arith.constant 0 : index
      %get3A_65 = arith.constant 0 : index
      %get3A_66 = vector.load %arg9[%get3A_64, %get3A_65] : memref<2x256xf32, #tpu.memory_space<vmem>>, vector<2x256xf32>
      %add3A_67 = arith.addf %get3A_66, %concatenate3A_57 : vector<2x256xf32>
      %swap3A_68 = arith.constant 0 : index
      %swap3A_69 = arith.constant 0 : index
      %swap3A_70 = vector.load %arg9[%swap3A_68, %swap3A_69] : memref<2x256xf32, #tpu.memory_space<vmem>>, vector<2x256xf32>
      tpu.vector_store %arg9[%swap3A_68, %swap3A_69], %add3A_67 {strides = array<i32>} : memref<2x256xf32, #tpu.memory_space<vmem>>, vector<2x256xf32>,
    } else {
    }
    return
  }
  func.func @transform_0(%arg0: i32) -> (i32, i32, i32) {
    %c0_i32 = arith.constant 0 : i32
    %c0_i32_0 = arith.constant 0 : i32
    %c0_i32_1 = arith.constant 0 : i32
    return %c0_i32, %arg0, %c0_i32_0 : i32, i32, i32
  }
  func.func @transform_1(%arg0: i32) -> (i32, i32, i32) {
    %c0_i32 = arith.constant 0 : i32
    %c0_i32_0 = arith.constant 0 : i32
    %c0_i32_1 = arith.constant 0 : i32
    return %c0_i32, %arg0, %c0_i32_0 : i32, i32, i32
  }
  func.func @transform_2(%arg0: i32) -> (i32, i32) {
    %c0_i32 = arith.constant 0 : i32
    %c0_i32_0 = arith.constant 0 : i32
    return %arg0, %c0_i32 : i32, i32
  }
  func.func @transform_3(%arg0: i32) -> (i32, i32) {
    %c0_i32 = arith.constant 0 : i32
    %c0_i32_0 = arith.constant 0 : i32
    %c0_i32_1 = arith.constant 0 : i32
    return %c0_i32, %c0_i32_0 : i32, i32
  }
  func.func @transform_4(%arg0: i32) -> (i32, i32) {
    %c0_i32 = arith.constant 0 : i32
    %c0_i32_0 = arith.constant 0 : i32
    %c0_i32_1 = arith.constant 0 : i32
    return %c0_i32, %c0_i32_0 : i32, i32
  }
  func.func @transform_5(%arg0: i32) -> (i32, i32) {
    %c0_i32 = arith.constant 0 : i32
    %c0_i32_0 = arith.constant 0 : i32
    %c0_i32_1 = arith.constant 0 : i32
    return %c0_i32, %c0_i32_0 : i32, i32
  }
  func.func @transform_6(%arg0: i32) -> (i32, i32) {
    %c0_i32 = arith.constant 0 : i32
    %c0_i32_0 = arith.constant 0 : i32
    return %arg0, %c0_i32 : i32, i32
  }
  func.func @transform_7(%arg0: i32) -> (i32, i32) {
    %c0_i32 = arith.constant 0 : i32
    %c0_i32_0 = arith.constant 0 : i32
    return %arg0, %c0_i32 : i32, i32
  }
  func.func @transform_8(%arg0: i32) -> (i32, i32) {
    %c0_i32 = arith.constant 0 : i32
    %c0_i32_0 = arith.constant 0 : i32
    %c0_i32_1 = arith.constant 0 : i32
    return %c0_i32, %c0_i32_0 : i32, i32
  }
}

module attributes {stable_mosaic.version = 14 : i64} {
  func.func @_l2_body(%arg0: i32, %arg1: memref<2x1000x128xf32, #tpu.memory_space<vmem>>, %arg2: memref<2x1000x8xf32, #tpu.memory_space<vmem>>, %arg3: memref<1000x128xf32, #tpu.memory_space<vmem>>, %arg4: memref<1000x128xf32, #tpu.memory_space<vmem>>, %arg5: memref<256x256xf32, #tpu.memory_space<vmem>>, %arg6: memref<1x256xf32, #tpu.memory_space<vmem>>, %arg7: memref<256x256xf32, #tpu.memory_space<vmem>>, %arg8: memref<1x256xf32, #tpu.memory_space<vmem>>, %arg9: memref<1000x256xf32, #tpu.memory_space<vmem>>) attributes {dimension_semantics = [#tpu.dimension_semantics<arbitrary>], iteration_bounds = array<i64: 10>, scalar_prefetch = 0 : i64, scratch_operands = 0 : i64, tpu.core_type = #tpu.core_type<tc>, window_params = [{transform_indices = @transform_0, window_bounds = array<i64: 2, 1000, 128>}, {transform_indices = @transform_1, window_bounds = array<i64: 2, 1000, 8>}, {transform_indices = @transform_2, window_bounds = array<i64: 1000, 128>}, {transform_indices = @transform_3, window_bounds = array<i64: 1000, 128>}, {pipeline_mode = #tpu.pipeline_mode<synchronous>, transform_indices = @transform_4, window_bounds = array<i64: 256, 256>}, {pipeline_mode = #tpu.pipeline_mode<synchronous>, transform_indices = @transform_5, window_bounds = array<i64: 1, 256>}, {pipeline_mode = #tpu.pipeline_mode<synchronous>, transform_indices = @transform_6, window_bounds = array<i64: 256, 256>}, {pipeline_mode = #tpu.pipeline_mode<synchronous>, transform_indices = @transform_7, window_bounds = array<i64: 1, 256>}, {transform_indices = @transform_8, window_bounds = array<i64: 1000, 256>}]} {
    %get3A = arith.constant 0 : index
    %get3A_0 = arith.constant 0 : index
    %get3A_1 = arith.constant 0 : index
    %get3A_2 = vector.load %arg1[%get3A, %get3A_0, %get3A_1] : memref<2x1000x128xf32, #tpu.memory_space<vmem>>, vector<2x1000x128xf32>
    %slice3A = vector.extract_strided_slice %get3A_2 {offsets = [0, 0, 0], sizes = [1, 1000, 128], strides = [1, 1, 1]} : vector<2x1000x128xf32> to vector<1x1000x128xf32>
    %squeeze3A = vector.shape_cast %slice3A : vector<1x1000x128xf32> to vector<1000x128xf32>
    %slice3A_3 = vector.extract_strided_slice %get3A_2 {offsets = [1, 0, 0], sizes = [1, 1000, 128], strides = [1, 1, 1]} : vector<2x1000x128xf32> to vector<1x1000x128xf32>
    %squeeze3A_4 = vector.shape_cast %slice3A_3 : vector<1x1000x128xf32> to vector<1000x128xf32>
    %concatenate3A = tpu.concatenate %squeeze3A, %squeeze3A_4 in 1 : vector<1000x128xf32>, vector<1000x128xf32> -> vector<1000x256xf32>
    %get3A_5 = arith.constant 0 : index
    %get3A_6 = arith.constant 0 : index
    %get3A_7 = arith.constant 0 : index
    %get3A_8 = vector.load %arg2[%get3A_5, %get3A_6, %get3A_7] : memref<2x1000x8xf32, #tpu.memory_space<vmem>>, vector<2x1000x8xf32>
    %slice3A_9 = vector.extract_strided_slice %get3A_8 {offsets = [0, 0, 0], sizes = [1, 1000, 1], strides = [1, 1, 1]} : vector<2x1000x8xf32> to vector<1x1000x1xf32>
    %squeeze3A_10 = vector.shape_cast %slice3A_9 : vector<1x1000x1xf32> to vector<1000x1xf32>
    %slice3A_11 = vector.extract_strided_slice %get3A_8 {offsets = [1, 0, 0], sizes = [1, 1000, 1], strides = [1, 1, 1]} : vector<2x1000x8xf32> to vector<1x1000x1xf32>
    %squeeze3A_12 = vector.shape_cast %slice3A_11 : vector<1x1000x1xf32> to vector<1000x1xf32>
    %add3A = arith.addf %squeeze3A_10, %squeeze3A_12 : vector<1000x1xf32>
    %gt3A = arith.constant 0.000000e+00 : f32
    %gt3A_13 = vector.broadcast %gt3A : f32 to vector<1000x1xf32>
    %gt3A_14 = arith.cmpf ogt, %add3A, %gt3A_13 : vector<1000x1xf32>
    %convert_element_type3A = arith.extui %gt3A_14 : vector<1000x1xi1> to vector<1000x1xi32>
    %convert_element_type3A_15 = arith.sitofp %convert_element_type3A : vector<1000x1xi32> to vector<1000x1xf32>
    %max3A = arith.constant 1.000000e+00 : f32
    %max3A_16 = vector.broadcast %max3A : f32 to vector<1000x1xf32>
    %max3A_17 = arith.maximumf %add3A, %max3A_16 : vector<1000x1xf32>
    %div3A = vector.broadcast %max3A_17 : vector<1000x1xf32> to vector<1000x256xf32>
    %div3A_18 = arith.divf %concatenate3A, %div3A : vector<1000x256xf32>
    %get3A_19 = arith.constant 0 : index
    %get3A_20 = arith.constant 0 : index
    %get3A_21 = vector.load %arg8[%get3A_19, %get3A_20] : memref<1x256xf32, #tpu.memory_space<vmem>>, vector<1x256xf32>
    %mul3A = vector.broadcast %convert_element_type3A_15 : vector<1000x1xf32> to vector<1000x256xf32>
    %mul3A_22 = vector.broadcast %get3A_21 : vector<1x256xf32> to vector<1000x256xf32>
    %mul3A_23 = arith.mulf %mul3A, %mul3A_22 : vector<1000x256xf32>
    %add3A_24 = arith.addf %div3A_18, %mul3A_23 : vector<1000x256xf32>
    %get3A_25 = arith.constant 0 : index
    %get3A_26 = arith.constant 0 : index
    %get3A_27 = vector.load %arg3[%get3A_25, %get3A_26] : memref<1000x128xf32, #tpu.memory_space<vmem>>, vector<1000x128xf32>
    %get3A_28 = arith.constant 0 : index
    %get3A_29 = arith.constant 0 : index
    %get3A_30 = vector.load %arg4[%get3A_28, %get3A_29] : memref<1000x128xf32, #tpu.memory_space<vmem>>, vector<1000x128xf32>
    %concatenate3A_31 = tpu.concatenate %get3A_27, %get3A_30 in 1 : vector<1000x128xf32>, vector<1000x128xf32> -> vector<1000x256xf32>
    %get3A_32 = arith.constant 0 : index
    %get3A_33 = arith.constant 0 : index
    %get3A_34 = vector.load %arg8[%get3A_32, %get3A_33] : memref<1x256xf32, #tpu.memory_space<vmem>>, vector<1x256xf32>
    %add3A_35 = vector.broadcast %get3A_34 : vector<1x256xf32> to vector<1000x256xf32>
    %add3A_36 = arith.addf %concatenate3A_31, %add3A_35 : vector<1000x256xf32>
    %get3A_37 = arith.constant 0 : index
    %get3A_38 = arith.constant 0 : index
    %get3A_39 = vector.load %arg5[%get3A_37, %get3A_38] : memref<256x256xf32, #tpu.memory_space<vmem>>, vector<256x256xf32>
    %dot_general3A = arith.constant dense<0.000000e+00> : vector<1000x256xf32>
    %dot_general3A_40 = tpu.matmul %add3A_24, %get3A_39, %dot_general3A {dimension_numbers = #tpu.dot_dimension_numbers<[1], [0], [0], [1], [0, 0, 1, 1], [], []>, transpose_lhs_hint = false} : vector<1000x256xf32>, vector<256x256xf32>, vector<1000x256xf32> -> vector<1000x256xf32>
    %get3A_41 = arith.constant 0 : index
    %get3A_42 = arith.constant 0 : index
    %get3A_43 = vector.load %arg7[%get3A_41, %get3A_42] : memref<256x256xf32, #tpu.memory_space<vmem>>, vector<256x256xf32>
    %dot_general3A_44 = arith.constant dense<0.000000e+00> : vector<1000x256xf32>
    %dot_general3A_45 = tpu.matmul %add3A_36, %get3A_43, %dot_general3A_44 {dimension_numbers = #tpu.dot_dimension_numbers<[1], [0], [0], [1], [0, 0, 1, 1], [], []>, transpose_lhs_hint = false} : vector<1000x256xf32>, vector<256x256xf32>, vector<1000x256xf32> -> vector<1000x256xf32>
    %add3A_46 = arith.addf %dot_general3A_40, %dot_general3A_45 : vector<1000x256xf32>
    %get3A_47 = arith.constant 0 : index
    %get3A_48 = arith.constant 0 : index
    %get3A_49 = vector.load %arg6[%get3A_47, %get3A_48] : memref<1x256xf32, #tpu.memory_space<vmem>>, vector<1x256xf32>
    %add3A_50 = vector.broadcast %get3A_49 : vector<1x256xf32> to vector<1000x256xf32>
    %add3A_51 = arith.addf %add3A_46, %add3A_50 : vector<1000x256xf32>
    %mul3A_52 = arith.mulf %add3A_51, %add3A_51 : vector<1000x256xf32>
    %reduce_sum3A = arith.constant dense<0.000000e+00> : vector<1000xf32>
    %reduce_sum3A_53 = vector.multi_reduction <add>, %mul3A_52, %reduce_sum3A [1] : vector<1000x256xf32> to vector<1000xf32>
    %broadcast_in_dim3A = vector.shape_cast %reduce_sum3A_53 : vector<1000xf32> to vector<1000x1xf32>
    %sqrt3A = math.sqrt %broadcast_in_dim3A : vector<1000x1xf32>
    %max3A_54 = arith.constant 9.99999996E-13 : f32
    %max3A_55 = vector.broadcast %max3A_54 : f32 to vector<1000x1xf32>
    %max3A_56 = arith.maximumf %sqrt3A, %max3A_55 : vector<1000x1xf32>
    %div3A_57 = vector.broadcast %max3A_56 : vector<1000x1xf32> to vector<1000x256xf32>
    %div3A_58 = arith.divf %add3A_51, %div3A_57 : vector<1000x256xf32>
    %swap3A = arith.constant 0 : index
    %swap3A_59 = arith.constant 0 : index
    %swap3A_60 = vector.load %arg9[%swap3A, %swap3A_59] : memref<1000x256xf32, #tpu.memory_space<vmem>>, vector<1000x256xf32>
    tpu.vector_store %arg9[%swap3A, %swap3A_59], %div3A_58 {strides = array<i32>} : memref<1000x256xf32, #tpu.memory_space<vmem>>, vector<1000x256xf32>,
    return
  }
  func.func @transform_0(%arg0: i32) -> (i32, i32, i32) {
    %c0_i32 = arith.constant 0 : i32
    %c0_i32_0 = arith.constant 0 : i32
    %c0_i32_1 = arith.constant 0 : i32
    return %c0_i32, %arg0, %c0_i32_0 : i32, i32, i32
  }
  func.func @transform_1(%arg0: i32) -> (i32, i32, i32) {
    %c0_i32 = arith.constant 0 : i32
    %c0_i32_0 = arith.constant 0 : i32
    %c0_i32_1 = arith.constant 0 : i32
    return %c0_i32, %arg0, %c0_i32_0 : i32, i32, i32
  }
  func.func @transform_2(%arg0: i32) -> (i32, i32) {
    %c0_i32 = arith.constant 0 : i32
    %c0_i32_0 = arith.constant 0 : i32
    return %arg0, %c0_i32 : i32, i32
  }
  func.func @transform_3(%arg0: i32) -> (i32, i32) {
    %c0_i32 = arith.constant 0 : i32
    %c0_i32_0 = arith.constant 0 : i32
    return %arg0, %c0_i32 : i32, i32
  }
  func.func @transform_4(%arg0: i32) -> (i32, i32) {
    %c0_i32 = arith.constant 0 : i32
    %c0_i32_0 = arith.constant 0 : i32
    %c0_i32_1 = arith.constant 0 : i32
    return %c0_i32, %c0_i32_0 : i32, i32
  }
  func.func @transform_5(%arg0: i32) -> (i32, i32) {
    %c0_i32 = arith.constant 0 : i32
    %c0_i32_0 = arith.constant 0 : i32
    %c0_i32_1 = arith.constant 0 : i32
    return %c0_i32, %c0_i32_0 : i32, i32
  }
  func.func @transform_6(%arg0: i32) -> (i32, i32) {
    %c0_i32 = arith.constant 0 : i32
    %c0_i32_0 = arith.constant 0 : i32
    %c0_i32_1 = arith.constant 0 : i32
    return %c0_i32, %c0_i32_0 : i32, i32
  }
  func.func @transform_7(%arg0: i32) -> (i32, i32) {
    %c0_i32 = arith.constant 0 : i32
    %c0_i32_0 = arith.constant 0 : i32
    %c0_i32_1 = arith.constant 0 : i32
    return %c0_i32, %c0_i32_0 : i32, i32
  }
  func.func @transform_8(%arg0: i32) -> (i32, i32) {
    %c0_i32 = arith.constant 0 : i32
    %c0_i32_0 = arith.constant 0 : i32
    return %arg0, %c0_i32 : i32, i32
  }
}

</mosaic_0001>

<sc_bundles>
// kernel: kernel.6.cloned.1.call-start
scs
__scs_entry_jumppad:
0x0: {  	(pc) =	sbr.rel $0x88, $3  }
0x1: {  	(tag) =	ssettag $0x0;
	lr =	simm.s32 $0x1  }
0x2: {  	[smem:$0x3F97] =	sst lr;
	_ =	strace $0xD0000000  }
0x3: {  	_ = 	snop  }
0x4: {  	_ = 	snop  }
0x5: {  	_ = 	snop  }
0x6: {  	_ = 	snop  }
0x7: {  	_ = 	snop  }
__scs_overlays_trampoline_lowered:
0x8: {  	[smem:$0x3FA6] =	sst s0  }
0x9: {  	[smem:$0x3FA7] =	sst s1  }
0xa: {  	[smem:$0x3FA8] =	sst s2  }
0xb: {  	[smem:$0x3FA9] =	sst s3  }
0xc: {  	[smem:$0x3FAA] =	sst s4  }
0xd: {  	[smem:$0x3FAB] =	sst s5  }
0xe: {  	[smem:$0x3FAC] =	sst s6  }
0xf: {  	[smem:$0x3FAD] =	sst s7  }
0x10: {  	[smem:$0x3FAE] =	sst s8  }
0x11: {  	[smem:$0x3FAF] =	sst s9;
	s0 =	simm.s32 @!p0 $0x0  }
0x12: {  	s1 =	sld [smem:$0x3F95];
	s0 =	simm.s32 @p0 $0x1  }
0x13: {  	[smem:$0x3FB0] =	sst s0;
	s0 =	simm.s32 @!p1 $0x0  }
0x14: {  	s2 =	sld [smem:$0x3F94];
	s0 =	simm.s32 @p1 $0x1  }
0x15: {  	[smem:$0x3FB1] =	sst s0;
	s0 =	simm.s32 @!p2 $0x0  }
0x16: {  	s3 =	sld [smem:$0x3FDB];
	s0 =	simm.s32 @p2 $0x1  }
0x17: {  	s4 =	simm.s32 $0x1BF5;
	[smem:$0x3FB3] =	sst s0  }
0x18: {  	s0 =	sld [smem:$0x3F96];
	_ =	swait.ge [sflag:s4], $0x0  }
0x19: {  	s7 =	sld [smem:$0x3F97]  }
0x1a: {  	s8 =	sadd.s32 $0xFFFFE003, lr  }
0x1b: {  	s9 =	sadd.s32 $0xFFFFFEF7, lr;
	s5 =	simm.s32 $0xFFFFFFFF;
	p2 =	slt.u32 s8, $0xFFFFF086  }
0x1c: {  	p1 =	slt.u32 s9, $0xF7A;
	s5 =	simm.s32 @!p2 $0x0  }
0x1d: {  	s5 =	simm.s32 @p1 $0x1;
	p0 =	seq.s32 s7, s2  }
0x1e: {  	s7 =	smul.u32 @!p0 $0xF7A, s2;
	p2 =	seq.s32 @!p0 s5, $0x0  }
0x1f: {  	s9 =	smul.u32 $0xF7A, s1;
	s8 =	simm.s32 @!p0 $0x1BF5;
	p2 =	por !p2, p0  }
0x20: {  	[sflag:s8] =	ssyncset.s32 @!p0 $0xFFFFF086;
	s6 =	sadd.s32 @!p0 s3, s7;
	s7 =	simm.s32 @!p0 $0x108  }
0x21: {  	s3 =	sadd.s32 s3, s9;
	s6 =	sadd.s32 @!p0 $0x88, s6;
	s7 =	simm.s32 @p2 $0x1082  }
0x22: {  	[simem:s7], [sflag:s8] =	dma.local @!p0 [hbm:s6], $0xF7A  }
0x23: {  	s9 =	sor.u32 $0xD0000000, s2;
	s6 =	simm.s32 $0x108;
	_ =	swait.ge @!p0 [sflag:s8], $0x0  }
0x24: {  	s3 =	sadd.s32 $0x88, s3;
	s6 =	simm.s32 @!p1 $0x1082;
	[sflag:s4] =	ssyncset.s32 $0xFFFFF086  }
0x25: {  	[simem:s6], [sflag:s4] =	dma.local [hbm:s3], $0xF7A  }
0x26: {  	[smem:$0x3F97] =	sst s1;
	(tag) =	ssettag s2;
	_ =	strace s9  }
0x27: {  	s1 =	sld [smem:$0x3FA7]  }
0x28: {  	s2 =	sld [smem:$0x3FA8]  }
0x29: {  	s4 =	sld [smem:$0x3FAA]  }
0x2a: {  	p0 =	seq.s32 s5, $0x0;
	s5 =	sld [smem:$0x3FAB]  }
0x2b: {  	s6 =	sld [smem:$0x3FAC]  }
0x2c: {  	s7 =	sld [smem:$0x3FAD]  }
0x2d: {  	s3 =	simm.s32 $0x108;
	s8 =	sld [smem:$0x3FAE]  }
0x2e: {  	s3 =	simm.s32 @!p0 $0x1082;
	s9 =	sld [smem:$0x3FAF]  }
0x2f: {  	lr =	sadd.s32 s0, s3;
	s0 =	sld [smem:$0x3FA6]  }
0x30: {  	s3 =	sld [smem:$0x3FA9]  }
0x31: {  	[smem:$0x3FB2] =	sst s10  }
0x32: {  	s10 =	sld [smem:$0x3FB0];
	_ =	sdelay $0x3  }
0x33: {  	p0 =	seq.s32 s10, $0x1;
	s10 =	sld [smem:$0x3FB2];
	_ =	sdelay $0x3  }
0x34: {  	[smem:$0x3FB2] =	sst s10  }
0x35: {  	s10 =	sld [smem:$0x3FB1];
	_ =	sdelay $0x3  }
0x36: {  	p1 =	seq.s32 s10, $0x1;
	s10 =	sld [smem:$0x3FB2];
	_ =	sdelay $0x3  }
0x37: {  	[smem:$0x3FB2] =	sst s10  }
0x38: {  	s10 =	sld [smem:$0x3FB3]  }
0x39: {  	_ = 	snop;
	(pc) =	sbr.ind lr, $3  }
0x3a: {  	_ = 	snop  }
0x3b: {  	_ = 	snop  }
0x3c: {  	p2 =	seq.s32 s10, $0x1;
	s10 =	sld [smem:$0x3FB2]  }
0x3d: {  	_ =	shalt  }
0x3e: {  	_ =	shalt  }
0x3f: {  	_ =	shalt  }
0x40: {  	_ =	shalt  }
0x41: {  	_ =	shalt  }
0x42: {  	_ =	shalt  }
0x43: {  	_ =	shalt  }
0x44: {  	_ =	shalt  }
0x45: {  	_ =	shalt  }
0x46: {  	_ =	shalt  }
0x47: {  	_ =	shalt  }
0x48: {  	_ =	shalt  }
0x49: {  	_ =	shalt  }
0x4a: {  	_ =	shalt  }
0x4b: {  	_ =	shalt  }
0x4c: {  	_ =	shalt  }
0x4d: {  	_ =	shalt  }
0x4e: {  	_ =	shalt  }
0x4f: {  	_ =	shalt  }
0x50: {  	_ =	shalt  }
0x51: {  	_ =	shalt  }
0x52: {  	_ =	shalt  }
0x53: {  	_ =	shalt  }
0x54: {  	_ =	shalt  }
0x55: {  	_ =	shalt  }
0x56: {  	_ =	shalt  }
0x57: {  	_ =	shalt  }
0x58: {  	_ =	shalt  }
0x59: {  	_ =	shalt  }
0x5a: {  	_ =	shalt  }
0x5b: {  	_ =	shalt  }
0x5c: {  	_ =	shalt  }
0x5d: {  	_ =	shalt  }
0x5e: {  	_ =	shalt  }
0x5f: {  	_ =	shalt  }
0x60: {  	_ =	shalt  }
0x61: {  	_ =	shalt  }
0x62: {  	_ =	shalt  }
0x63: {  	_ =	shalt  }
0x64: {  	_ =	shalt  }
0x65: {  	_ =	shalt  }
0x66: {  	_ =	shalt  }
0x67: {  	_ =	shalt  }
0x68: {  	_ =	shalt  }
0x69: {  	_ =	shalt  }
0x6a: {  	_ =	shalt  }
0x6b: {  	_ =	shalt  }
0x6c: {  	_ =	shalt  }
0x6d: {  	_ =	shalt  }
0x6e: {  	_ =	shalt  }
0x6f: {  	_ =	shalt  }
0x70: {  	_ =	shalt  }
0x71: {  	_ =	shalt  }
0x72: {  	_ =	shalt  }
0x73: {  	_ =	shalt  }
0x74: {  	_ =	shalt  }
0x75: {  	_ =	shalt  }
0x76: {  	_ =	shalt  }
0x77: {  	_ =	shalt  }
0x78: {  	_ =	shalt  }
0x79: {  	_ =	shalt  }
0x7a: {  	_ =	shalt  }
0x7b: {  	_ =	shalt  }
0x7c: {  	_ =	shalt  }
0x7d: {  	_ =	shalt  }
0x7e: {  	_ =	shalt  }
0x7f: {  	_ =	shalt  }
0x80: {  	_ =	shalt  }
0x81: {  	_ =	shalt  }
0x82: {  	_ =	shalt  }
0x83: {  	_ =	shalt  }
0x84: {  	_ =	shalt  }
0x85: {  	_ =	shalt  }
0x86: {  	_ =	shalt  }
0x87: {  	_ =	shalt  }
.Lfunc_end0:
.L_simem_size_0:
called_computation_lowered:
.L_overlay_start_0:
0x88: {  	s2 =	sld [smem:$0x3FD9]  }
0x89: {  	s3 =	sld [smem:$0x3FFE];
	_ =	sdelay $0x1  }
0x8a: {  	s1 =	srdreg.scid  }
0x8b: {  	s0 =	sand.u32 $0x1, s1  }
0x8c: {  	s17 =	sshll.u32 s0, $0xA;
	s2 =	sadd.s32 s3, s2  }
0x8d: {  	s2 =	sadd.s32 s2, s17  }
0x8e: {  	[smem:$0x3FBE] =	sst s2  }
0x8f: {  	_ = 	snop  }
0x90: {  	s2 =	sld [smem:$0x3FD0];
	(tm) =	ssettm $0x1  }
0x91: {  	s18 =	sld [smem:$0x3FFB];
	_ =	sdelay $0x3  }
0x92: {  	_ =	strace s18  }
0x93: {  	s3 =	sld [smem:$0x3FFC];
	_ =	sdelay $0x3  }
0x94: {  	_ =	strace s3  }
0x95: {  	s3 =	sld [smem:$0x3FFD];
	_ =	sdelay $0x3  }
0x96: {  	_ =	strace s3  }
0x97: {  	_ =	strace $0x8FFFFFFF  }
0x98: {  	s19 =	sld [smem:$0x3FDB];
	_ =	sdelay $0x1  }
0x99: {  	s4 =	simm.s32 $_scs_section_size  }
0x9a: {  	s5 =	simm.s32 $_size__tile_overlayer_lowered;
	s6 =	simm.s32 $_tile_overlayer_lowered  }
0x9b: {  	s22 =	simm.s32 $0x1BFF;
	s21 =	sshll.u32 s6, $0x1;
	s3 =	sadd.s32 s4, s19  }
0x9c: {  	s7 =	simm.s32 $0x0;
	s20 =	sshll.u32 s5, $0x1;
	s5 =	sadd.s32 s21, s3  }
0x9d: {  	[timem:s7], [sflag:s22] =	dma.local [hbm:s5], s20  }
0x9e: {  	_ =	swait.ge [sflag:s22], s20  }
0x9f: {  	s4 =	ssub.s32 $0x0, s20;
	[sflag:s22] =	ssyncset.done $0x0  }
0xa0: {  	[sflag:s22] =	ssyncadd.s32 s4;
	_ =	sdelay $0x1  }
0xa1: {  	s23 =	simm.s32 $0x1B8B  }
0xa2: {  	_ =	swait.ge [sflag:s23], $0x1  }
0xa3: {  	[sflag:s23] =	ssyncset.done $0x0  }
0xa4: {  	s25 =	simm.s32 $0x1B8E;
	s24 =	sld [smem:$0x3FFE];
	[sflag:s23] =	ssyncadd.s32 $0xFFFFFFFF  }
0xa5: {  	s26 =	simm.s32 $execute0_lowered;
	[smem:$0x3FD2] =	sst s25  }
0xa6: {  	s5 =	sshll.u32 s26, $0x1;
	_ =	strace $0x80000046;
	[dreg:$0x1] =	wrdreg $0xFFFFFFFF  }
0xa7: {  	s28 =	simm.s32 $_size_execute0_lowered;
	s3 =	sadd.s32 s3, s5;
	[dreg:$0x0] =	wrdreg $0x0  }
0xa8: {  	s5 =	sshll.u32 s28, $0x1;
	[dreg:$0x2] =	wrdreg s3  }
0xa9: {  	[dreg:$0x3] =	wrdreg s5  }
0xaa: {  	[dreg:$0x4] =	wrdreg $0xC0  }
0xab: {  	_ =	task [dreg:s7], $0x5FFFF  }
0xac: {  	[dreg:$0x1] =	wrdreg $0xFFFFFFFF  }
0xad: {  	[dreg:$0x0] =	wrdreg $0x60  }
0xae: {  	[dreg:$0x2] =	wrdreg s24  }
0xaf: {  	[dreg:$0x3] =	wrdreg s2  }
0xb0: {  	[dreg:$0x4] =	wrdreg $0x0  }
0xb1: {  	[dreg:$0x5] =	wrdreg $0x1BAC00  }
0xb2: {  	[dreg:$0x6] =	wrdreg $0x9  }
0xb3: {  	_ =	task.clear_ibuf [dreg:s7], $0x7FFFF;
	_ =	strace $0x90000046  }
0xb4: {  	s29 =	simm.s32 $0x9;
	_ =	strace $0x80000048  }
0xb5: {  	_ =	swait.ge [sflag:s29], $0x1  }
0xb6: {  	[sflag:s29] =	ssyncadd.s32 $0xFFFFFFFF  }
0xb7: {  	_ =	strace $0x90000048  }
0xb8: {  	_ =	sfence  }
0xb9: {  	s30 =	sld [smem:$0x0];
	_ =	sdelay $0x2  }
0xba: {  	s31 =	sshll.u32 s1, $0xD;
	s1 =	sshrl.u32 s1, $0x2  }
0xbb: {  	s3 =	sand.u32 $0x4000, s31;
	s1 =	sadd.s32 s1, s30  }
0xbc: {  	s0 =	sor.u32 s3, s0;
	s1 =	sshll.u32 s1, $0x11  }
0xbd: {  	s0 =	sor.u32 s1, s0  }
0xbe: {  	s0 =	sadd.s32 $0x8F2B, s0  }
0xbf: {  	[sflag:s0] =	ssyncadd.remote.s32 $0x1  }
0xc0: {  	_ =	sfence.sel $0xFFFF  }
0xc1: {  	[dreg:$0x0] =	wrdreg $0xFFFFFFFF;
	(pc) =	sbr.abs _section_cstart, $3  }
0xc2: {  	[dreg:$0x1] =	wrdreg $0xFFFFFFFF  }
0xc3: {  	_ =	task.clear_ibuf [dreg:s7], $0x2FFFF;
	_ =	strace $0x9FFFFFFF  }
0xc4: {  	(tm) =	ssettm $0x7FFFFFFF  }
0xc5: {  	_ =	shalt  }
tec
execute0_lowered:
.L_overlay_start_1:
0x0: {  	(tag) =	ssettag $0x1  }
0x1: {  	s0 =	rddreg [dreg:$0x0]  }
0x2: {  	s2 =	rddreg [dreg:$0x1]  }
0x3: {  	s1 =	rddreg [dreg:$0x2]  }
0x4: {  	s3 =	rddreg [dreg:$0x3];
	s4 =	simm.s32 $0x0;
	s24 =	stileid.u32  }
0x5: {  	s8 =	srdreg.scid;
	s29 =	simm.s32 $0x1A2C0;
	s30 =	simm.s32 $0x1CE80  }
0x6: {  	s31 =	simm.s32 $0x1;
	s28 =	simm.s32 $0x0;
	[smem:$0x7FF] =	sst s4  }
0x7: {  	s7 =	smul.u32 $0x4EC, s24;
	s5 =	sadd.s32 $0x29E00, s0;
	s6 =	sadd.s32 $0x2C00, s0  }
0x8: {  	s9 =	sadd.s32 $0x5B000, s0;
	s8 =	sand.u32 $0x1, s8;
	s14 =	sadd.s32 $0x2800, s0  }
0x9: {  	s13 =	smul.u32 $0x13C00, s24;
	_ =	strace $0x80000047;
	[dreg:$0x5] =	wrdreg s9  }
0xa: {  	s17 =	sadd.s32 $0x5D800, s0;
	p1 =	seq.s32 s24, $0xF;
	[dreg:$0x6] =	wrdreg s14  }
0xb: {  	s15 =	ssub.s32 $0x2, s8;
	s14 =	smul.u32 $0x13C0, s24;
	p0 =	seq.s32 s8, $0x0  }
0xc: {  	s18 =	smul.u32 $0x13880, s8;
	s7 =	sadd.s32 s7, s0;
	s10 =	sshrl.u32 s15, $0x1  }
0xd: {  	s11 =	sadd.s32 s13, s1;
	s0 =	sadd.s32 $0x2A78, s0;
	s9 =	ssub.s32 s15, s10  }
0xe: {  	s16 =	sadd.s32 $0x56000, s7;
	s15 =	smul.u32 $0x138800, s8;
	s7 =	sadd.s32 $0x51000, s7  }
0xf: {  	s12 =	sadd.s32 s14, s3;
	[dreg:$0x9] =	wrdreg s0;
	s21 =	sadd.s32 s14, s18  }
0x10: {  	s26 =	sshrl.u32 s18, $0x3;
	s14 =	simm.s32 $0x16390;
	[dreg:$0x7] =	wrdreg s16  }
0x11: {  	[dreg:$0x8] =	wrdreg s7;
	s22 =	sshrl.u32 s21, $0x3;
	s18 =	smax.u32 s9, $0x1  }
0x12: {  	s21 =	simm.s32 $0x4;
	s19 =	sadd.s32 s13, s15;
	s23 =	sshrl.u32 s15, $0x3  }
0x13: {  	s15 =	sadd.s32 s17, s22;
	s22 =	simm.s32 $0x16360;
	s20 =	sshrl.u32 s19, $0x3  }
0x14: {  	s25 =	sadd.s32 s2, s23;
	s19 =	smov.u32 s6;
	s23 =	simm.s32 $0x30  }
.Ltmp0:
0x15: {  	s0 =	sadd.s32 s2, s20;
	s16 =	sadd.s32 $0x25080, s25;
	(pc) =	sbr.rel .LBB2_1-.Ltmp0, $4  }
0x16: {  	s2 =	sadd.s32 s17, s26;
	s19 =	smov.u32 @p0 s5;
	s20 =	simm.s32 $0x13C00  }
0x17: {  	s26 =	simm.s32 $0x18AC0;
	[dreg:$0xa] =	wrdreg s0;
	s0 =	sadd.s32 $0x128400, s1  }
0x18: {  	s17 =	sadd.s32 $0x2508, s2;
	s2 =	sadd.s32 $0x12840, s3;
	s24 =	sshrl.u32 @p1 s0, $0x3  }
0x19: {  	s25 =	sshrl.u32 @p1 s2, $0x3;
	s0 =	simm.s32 $0x3;
	s2 =	simm.s32 $0x2  }
.LBB2_7:
0x1a: {  	s10 =	sadd.s32 $0x16330, s9;
	[sflag:s21] =	ssyncadd.s32 $0xFFFFE800  }
0x1b: {  	[tilespmem:s29], [sflag:$0x2] =	stream.indirect.gather [hbm4b:s5+s23], $0x80, s10, s23, $0xb8;
	[tilespmem:$0x1D000] =	vst v63  }
0x1c: {  	_ =	swait.ge [sflag:s31], $0x1800  }
0x1d: {  	[sflag:s31] =	ssyncset.done $0x0  }
0x1e: {  	s13 =	sadd.s32 $0x18A60, s9;
	[sflag:s31] =	ssyncadd.s32 $0xFFFFE800  }
0x1f: {  	[spmem:s3] =	stream.indirect.scatter.add.f32 [tilespmem:s30], [sflag:$0x3], $0x8, s13, s23, $0xb8;
	[tilespmem:$0x1D000] =	vst v63  }
0x20: {  	_ = 	snop  }
0x21: {  	[spmem:s1] =	stream.indirect.scatter.add.f32 [tilespmem:s26], [sflag:$0x4], $0x80, s13, s23, $0xb8;
	[tilespmem:$0x1D000] =	vst v63  }
0x22: {  	_ =	swait.ge [sflag:s21], $0x1800  }
0x23: {  	[sflag:s21] =	ssyncset.done $0x0  }
0x24: {  	[sflag:s21] =	ssyncadd.s32 $0xFFFFE800  }
0x25: {  	_ =	swait.ge [sflag:s0], $0x180  }
0x26: {  	[sflag:s0] =	ssyncset.done $0x0  }
0x27: {  	s13 =	sadd.s32 $0x16360, s9;
	[sflag:s0] =	ssyncadd.s32 $0xFFFFFE80  }
0x28: {  	[tilespmem:s26], [sflag:$0x1] =	stream.indirect.gather [hbm4b:s5+s23], $0x80, s13, s23, $0xb8;
	[tilespmem:$0x1D000] =	vst v63  }
0x29: {  	_ =	swait.ge [sflag:s2], $0x1800  }
0x2a: {  	[sflag:s2] =	ssyncset.done $0x0  }
0x2b: {  	s13 =	sadd.s32 $0x18A90, s9;
	[sflag:s2] =	ssyncadd.s32 $0xFFFFE800  }
0x2c: {  	[spmem:s1] =	stream.indirect.scatter.add.f32 [tilespmem:s29], [sflag:$0x4], $0x80, s13, s23, $0xb8;
	[tilespmem:$0x1D000] =	vst v63  }
0x2d: {  	_ =	swait.ge [sflag:s21], $0x1800  }
0x2e: {  	s8 =	sshra.s32 s8, $0x2;
	[sflag:s21] =	ssyncset.done $0x0  }
0x2f: {  	s10 =	sadd.s32 $0x16330, s8;
	[sflag:s21] =	ssyncadd.s32 $0xFFFFE800  }
0x30: {  	[tilespmem:s29], [sflag:$0x2] =	stream.indirect.gather [hbm4b:s5+s23], $0x80, s10, s23, $0xb8;
	[tilespmem:$0x1D000] =	vst v63  }
0x31: {  	_ =	swait.ge [sflag:s31], $0x1800  }
0x32: {  	[sflag:s31] =	ssyncset.done $0x0  }
0x33: {  	s13 =	sadd.s32 $0x18A60, s8;
	[sflag:s31] =	ssyncadd.s32 $0xFFFFE800  }
0x34: {  	[spmem:s3] =	stream.indirect.scatter.add.f32 [tilespmem:s30], [sflag:$0x3], $0x8, s13, s23, $0xb8;
	[tilespmem:$0x1D000] =	vst v63  }
0x35: {  	_ = 	snop  }
0x36: {  	[spmem:s1] =	stream.indirect.scatter.add.f32 [tilespmem:s26], [sflag:$0x4], $0x80, s13, s23, $0xb8;
	[tilespmem:$0x1D000] =	vst v63  }
0x37: {  	_ =	swait.ge [sflag:s21], $0x1800  }
0x38: {  	[sflag:s21] =	ssyncset.done $0x0  }
0x39: {  	[sflag:s21] =	ssyncadd.s32 $0xFFFFE800  }
0x3a: {  	_ =	swait.ge [sflag:s0], $0x180  }
0x3b: {  	[sflag:s0] =	ssyncset.done $0x0  }
0x3c: {  	[sflag:s0] =	ssyncadd.s32 $0xFFFFFE80  }
0x3d: {  	_ =	swait.ge [sflag:s2], $0x1800  }
0x3e: {  	[sflag:s2] =	ssyncset.done $0x0  }
0x3f: {  	s8 =	sadd.s32 $0x18A90, s8;
	[sflag:s2] =	ssyncadd.s32 $0xFFFFE800  }
0x40: {  	[spmem:s1] =	stream.indirect.scatter.add.f32 [tilespmem:s29], [sflag:$0x4], $0x80, s8, s23, $0xb8;
	[tilespmem:$0x1D000] =	vst v63  }
0x41: {  	_ =	swait.ge [sflag:s21], $0x1800  }
0x42: {  	[sflag:s21] =	ssyncset.done $0x0  }
0x43: {  	[sflag:s21] =	ssyncadd.s32 $0xFFFFE800  }
.LBB2_8:
0x44: {  	[bflag:$0x0] =	sbarrier.arrive $0xFFFF;
	s8 =	simm.s32 @p1 $0x4  }
0x45: {  	[hbm:s16], [sflag:s7] =	dma.local @p1 [spmem:s24], $0x2080  }
0x46: {  	_ =	swait.ge @p1 [sflag:s8], $0x2080  }
0x47: {  	[sflag:s8] =	ssyncset.done @p1 $0x0  }
0x48: {  	[sflag:s8] =	ssyncadd.s32 @p1 $0xFFFFDF80  }
0x49: {  	[hbm:s17], [sflag:s7] =	dma.local @p1 [spmem:s25], $0x208  }
0x4a: {  	_ =	swait.ge @p1 [sflag:s8], $0x208  }
0x4b: {  	[sflag:s8] =	ssyncset.done @p1 $0x0  }
0x4c: {  	s9 =	rddreg [dreg:$0xa];
	[sflag:s8] =	ssyncadd.s32 @p1 $0xFFFFFDF8;
	s8 =	sshrl.u32 @!p1 s11, $0x3  }
0x4d: {  	[hbm:s9], [sflag:s7] =	dma.local @!p1 [spmem:s8], $0x2780  }
0x4e: {  	s8 =	simm.s32 @!p1 $0x4  }
0x4f: {  	s28 =	sadd.s32 $0x1, s28;
	_ =	swait.ge @!p1 [sflag:s8], $0x2780  }
0x50: {  	p2 =	sne.s32 s28, s18;
	[sflag:s8] =	ssyncset.done @!p1 $0x0  }
.Ltmp1:
0x51: {  	s9 =	sshrl.u32 @!p1 s12, $0x3;
	[sflag:s8] =	ssyncadd.s32 @!p1 $0xFFFFD880;
	(pc) =	sbr.rel @!p2 .LBB2_9-.Ltmp1, $4  }
0x52: {  	[hbm:s15], [sflag:s7] =	dma.local @!p1 [spmem:s9], $0x278  }
0x53: {  	_ =	swait.ge @!p1 [sflag:s8], $0x278  }
0x54: {  	[sflag:s8] =	ssyncset.done @!p1 $0x0  }
0x55: {  	[sflag:s8] =	ssyncadd.s32 @!p1 $0xFFFFFD88  }
.LBB2_1:
0x56: {  	s7 =	rddreg [dreg:$0x7]  }
0x57: {  	[tilespmem:s20], [sflag:$0x4] =	stream.linear.gather [hbm4b:s7+s4], $0x2760, $0x38;
	[tilespmem:$0x1D000] =	vst v63  }
0x58: {  	_ =	swait.ge [sflag:s21], $0x2760  }
0x59: {  	[sflag:s21] =	ssyncset.done $0x0  }
0x5a: {  	s10 =	rddreg [dreg:$0x8];
	[sflag:s21] =	ssyncadd.s32 $0xFFFFD8A0  }
0x5b: {  	[tilespmem:s22], [sflag:$0x4] =	stream.linear.gather [hbm4b:s10+s4], $0x2760, $0x38;
	[tilespmem:$0x1D000] =	vst v63  }
0x5c: {  	_ =	swait.ge [sflag:s21], $0x2760  }
0x5d: {  	s8 =	stileid.u32;
	[sflag:s21] =	ssyncset.done $0x0  }
0x5e: {  	s13 =	simm.s32 $0x13C30;
	s7 =	sshll.u32 s8, $0x6;
	[sflag:s21] =	ssyncadd.s32 $0xFFFFD8A0  }
0x5f: {  	[tilespmem:s26], [sflag:$0x1] =	stream.indirect.gather [hbm4b:s19+s23], $0x80, s20, s23, $0xb8;
	[tilespmem:$0x1D000] =	vst v63  }
0x60: {  	s8 =	sshrl.u32 s11, $0x3;
	s7 =	sor.u32 $0x1C04, s7;
	s9 =	rddreg [dreg:$0x5]  }
0x61: {  	[tilespmem:s29], [sflag:$0x2] =	stream.indirect.gather [hbm4b:s19+s23], $0x80, s13, s23, $0xb8;
	[tilespmem:$0x1D000] =	vst v63  }
0x62: {  	[spmem:s8], [sflag:s7] =	dma.local [hbm:s9], $0x2780  }
0x63: {  	_ =	swait.ge [sflag:s21], $0x2780  }
0x64: {  	[sflag:s21] =	ssyncset.done $0x0  }
0x65: {  	s9 =	sshrl.u32 s12, $0x3;
	s10 =	rddreg [dreg:$0x6];
	[sflag:s21] =	ssyncadd.s32 $0xFFFFD880  }
0x66: {  	[spmem:s9], [sflag:s7] =	dma.local [hbm:s10], $0x278  }
0x67: {  	_ =	swait.ge [sflag:s21], $0x278  }
0x68: {  	[sflag:s21] =	ssyncset.done $0x0  }
0x69: {  	s13 =	rddreg [dreg:$0x9];
	[sflag:s21] =	ssyncadd.s32 $0xFFFFFD88  }
0x6a: {  	[tilespmem:s30], [sflag:$0x4] =	stream.linear.gather [hbm4b:s13+s4], $0x180, $0x38;
	[tilespmem:$0x1D000] =	vst v63  }
0x6b: {  	_ =	swait.ge [sflag:s21], $0x180  }
0x6c: {  	[sflag:s21] =	ssyncset.done $0x0  }
.Ltmp2:
0x6d: {  	[sflag:s21] =	ssyncadd.s32 $0xFFFFFE80;
	(pc) =	sbr.rel @!p0 .LBB2_2-.Ltmp2, $4  }
0x6e: {  	[bflag:$0x0] =	sbarrier.arrive $0xFFFF  }
0x6f: {  	_ =	swait.ge [sflag:s31], $0x1800  }
0x70: {  	[sflag:s31] =	ssyncset.done $0x0  }
0x71: {  	[sflag:s31] =	ssyncadd.s32 $0xFFFFE800  }
0x72: {  	[spmem:s3] =	stream.indirect.scatter.add.f32 [tilespmem:s30], [sflag:$0x3], $0x8, s22, s23, $0xb8;
	[tilespmem:$0x1D000] =	vst v63  }
0x73: {  	_ = 	snop  }
0x74: {  	[spmem:s1] =	stream.indirect.scatter.add.f32 [tilespmem:s26], [sflag:$0x4], $0x80, s22, s23, $0xb8;
	[tilespmem:$0x1D000] =	vst v63  }
0x75: {  	_ =	swait.ge [sflag:s21], $0x1800  }
0x76: {  	[sflag:s21] =	ssyncset.done $0x0  }
0x77: {  	[sflag:s21] =	ssyncadd.s32 $0xFFFFE800  }
0x78: {  	_ =	swait.ge [sflag:s0], $0x180  }
0x79: {  	[sflag:s0] =	ssyncset.done $0x0  }
0x7a: {  	s8 =	simm.s32 $0x13C60;
	[sflag:s0] =	ssyncadd.s32 $0xFFFFFE80  }
0x7b: {  	[tilespmem:s26], [sflag:$0x1] =	stream.indirect.gather [hbm4b:s5+s23], $0x80, s8, s23, $0xb8;
	[tilespmem:$0x1D000] =	vst v63  }
0x7c: {  	_ =	swait.ge [sflag:s2], $0x1800  }
0x7d: {  	[sflag:s2] =	ssyncset.done $0x0  }
0x7e: {  	[sflag:s2] =	ssyncadd.s32 $0xFFFFE800  }
0x7f: {  	[spmem:s1] =	stream.indirect.scatter.add.f32 [tilespmem:s29], [sflag:$0x4], $0x80, s14, s23, $0xb8;
	[tilespmem:$0x1D000] =	vst v63  }
0x80: {  	_ =	swait.ge [sflag:s21], $0x1800  }
0x81: {  	[sflag:s21] =	ssyncset.done $0x0  }
0x82: {  	s13 =	simm.s32 $0x13C90;
	[sflag:s21] =	ssyncadd.s32 $0xFFFFE800  }
0x83: {  	[tilespmem:s29], [sflag:$0x2] =	stream.indirect.gather [hbm4b:s5+s23], $0x80, s13, s23, $0xb8;
	[tilespmem:$0x1D000] =	vst v63  }
0x84: {  	_ =	swait.ge [sflag:s31], $0x1800  }
0x85: {  	[sflag:s31] =	ssyncset.done $0x0  }
0x86: {  	s9 =	simm.s32 $0x163C0;
	[sflag:s31] =	ssyncadd.s32 $0xFFFFE800  }
0x87: {  	[spmem:s3] =	stream.indirect.scatter.add.f32 [tilespmem:s30], [sflag:$0x3], $0x8, s9, s23, $0xb8;
	[tilespmem:$0x1D000] =	vst v63  }
0x88: {  	_ = 	snop  }
0x89: {  	[spmem:s1] =	stream.indirect.scatter.add.f32 [tilespmem:s26], [sflag:$0x4], $0x80, s9, s23, $0xb8;
	[tilespmem:$0x1D000] =	vst v63  }
0x8a: {  	_ =	swait.ge [sflag:s21], $0x1800  }
0x8b: {  	[sflag:s21] =	ssyncset.done $0x0  }
0x8c: {  	[sflag:s21] =	ssyncadd.s32 $0xFFFFE800  }
0x8d: {  	_ =	swait.ge [sflag:s0], $0x180  }
0x8e: {  	[sflag:s0] =	ssyncset.done $0x0  }
0x8f: {  	s10 =	simm.s32 $0x13CC0;
	[sflag:s0] =	ssyncadd.s32 $0xFFFFFE80  }
0x90: {  	[tilespmem:s26], [sflag:$0x1] =	stream.indirect.gather [hbm4b:s5+s23], $0x80, s10, s23, $0xb8;
	[tilespmem:$0x1D000] =	vst v63  }
0x91: {  	_ =	swait.ge [sflag:s2], $0x1800  }
0x92: {  	[sflag:s2] =	ssyncset.done $0x0  }
0x93: {  	s13 =	simm.s32 $0x163F0;
	[sflag:s2] =	ssyncadd.s32 $0xFFFFE800  }
0x94: {  	[spmem:s1] =	stream.indirect.scatter.add.f32 [tilespmem:s29], [sflag:$0x4], $0x80, s13, s23, $0xb8;
	[tilespmem:$0x1D000] =	vst v63  }
0x95: {  	_ =	swait.ge [sflag:s21], $0x1800  }
0x96: {  	s8 =	simm.s32 $0xFFFF6880;
	s9 =	simm.s32 $0xFFFFD9C0;
	[sflag:s21] =	ssyncset.done $0x0  }
.LBB2_6:
0x97: {  	s10 =	sadd.s32 $0x16330, s9  }
0x98: {  	[sflag:s21] =	ssyncadd.s32 $0xFFFFE800;
	s13 =	smov.u32 s8;
	s8 =	sadd.s32 $0x180, s8  }
0x99: {  	[tilespmem:s29], [sflag:$0x2] =	stream.indirect.gather [hbm4b:s5+s23], $0x80, s10, s23, $0xb8;
	[tilespmem:$0x1D000] =	vst v63  }
0x9a: {  	p2 =	seq.s32 s8, $0x0;
	_ =	swait.ge [sflag:s31], $0x1800  }
0x9b: {  	[sflag:s31] =	ssyncset.done $0x0  }
0x9c: {  	s10 =	sadd.s32 $0x18A60, s9;
	[sflag:s31] =	ssyncadd.s32 $0xFFFFE800  }
0x9d: {  	[spmem:s3] =	stream.indirect.scatter.add.f32 [tilespmem:s30], [sflag:$0x3], $0x8, s10, s23, $0xb8;
	[tilespmem:$0x1D000] =	vst v63  }
0x9e: {  	_ = 	snop  }
0x9f: {  	[spmem:s1] =	stream.indirect.scatter.add.f32 [tilespmem:s26], [sflag:$0x4], $0x80, s10, s23, $0xb8;
	[tilespmem:$0x1D000] =	vst v63  }
0xa0: {  	_ =	swait.ge [sflag:s21], $0x1800  }
0xa1: {  	[sflag:s21] =	ssyncset.done $0x0  }
0xa2: {  	[sflag:s21] =	ssyncadd.s32 $0xFFFFE800  }
0xa3: {  	_ =	swait.ge [sflag:s0], $0x180  }
0xa4: {  	[sflag:s0] =	ssyncset.done $0x0  }
0xa5: {  	s10 =	sadd.s32 $0x16360, s9;
	[sflag:s0] =	ssyncadd.s32 $0xFFFFFE80  }
0xa6: {  	[tilespmem:s26], [sflag:$0x1] =	stream.indirect.gather [hbm4b:s5+s23], $0x80, s10, s23, $0xb8;
	[tilespmem:$0x1D000] =	vst v63  }
0xa7: {  	_ =	swait.ge [sflag:s2], $0x1800  }
.Ltmp3:
0xa8: {  	[sflag:s2] =	ssyncset.done $0x0;
	(pc) =	sbr.rel @!p2 .LBB2_6-.Ltmp3, $4  }
0xa9: {  	s9 =	sadd.s32 $0x18A90, s9;
	[sflag:s2] =	ssyncadd.s32 $0xFFFFE800  }
0xaa: {  	[spmem:s1] =	stream.indirect.scatter.add.f32 [tilespmem:s29], [sflag:$0x4], $0x80, s9, s23, $0xb8;
	[tilespmem:$0x1D000] =	vst v63  }
0xab: {  	_ =	swait.ge [sflag:s21], $0x1800  }
0xac: {  	s9 =	sshra.s32 s13, $0x2;
	[sflag:s21] =	ssyncset.done $0x0  }
.Ltmp4:
0xad: {  	_ = 	snop;
	(pc) =	sbr.rel .LBB2_7-.Ltmp4, $1  }
0xae: {  	_ =	sdelay $0x3  }
.LBB2_2:
0xaf: {  	[spmem:s1] =	stream.indirect.scatter.add.f32 [tilespmem:s26], [sflag:$0x4], $0x80, s22, s23, $0xb8;
	[tilespmem:$0x1D000] =	vst v63  }
0xb0: {  	_ =	swait.ge [sflag:s21], $0x1800  }
0xb1: {  	[sflag:s21] =	ssyncset.done $0x0  }
0xb2: {  	s8 =	simm.s32 $0x13C60;
	[sflag:s21] =	ssyncadd.s32 $0xFFFFE800  }
0xb3: {  	[tilespmem:s26], [sflag:$0x1] =	stream.indirect.gather [hbm4b:s6+s23], $0x80, s8, s23, $0xb8;
	[tilespmem:$0x1D000] =	vst v63  }
0xb4: {  	_ =	swait.ge [sflag:s2], $0x1800  }
0xb5: {  	[sflag:s2] =	ssyncset.done $0x0  }
0xb6: {  	s10 =	simm.s32 $0x16390;
	[sflag:s2] =	ssyncadd.s32 $0xFFFFE800  }
0xb7: {  	[spmem:s3] =	stream.indirect.scatter.add.f32 [tilespmem:s30], [sflag:$0x3], $0x8, s10, s23, $0xb8;
	[tilespmem:$0x1D000] =	vst v63  }
0xb8: {  	_ = 	snop  }
0xb9: {  	[spmem:s1] =	stream.indirect.scatter.add.f32 [tilespmem:s29], [sflag:$0x4], $0x80, s10, s23, $0xb8;
	[tilespmem:$0x1D000] =	vst v63  }
0xba: {  	_ =	swait.ge [sflag:s21], $0x1800  }
0xbb: {  	[sflag:s21] =	ssyncset.done $0x0  }
0xbc: {  	[sflag:s21] =	ssyncadd.s32 $0xFFFFE800  }
0xbd: {  	_ =	swait.ge [sflag:s0], $0x180  }
0xbe: {  	[sflag:s0] =	ssyncset.done $0x0  }
0xbf: {  	s13 =	simm.s32 $0x13C90;
	[sflag:s0] =	ssyncadd.s32 $0xFFFFFE80  }
0xc0: {  	[tilespmem:s29], [sflag:$0x2] =	stream.indirect.gather [hbm4b:s6+s23], $0x80, s13, s23, $0xb8;
	[tilespmem:$0x1D000] =	vst v63  }
0xc1: {  	_ =	swait.ge [sflag:s31], $0x1800  }
0xc2: {  	[sflag:s31] =	ssyncset.done $0x0  }
0xc3: {  	s9 =	simm.s32 $0x163C0;
	[sflag:s31] =	ssyncadd.s32 $0xFFFFE800  }
0xc4: {  	[spmem:s1] =	stream.indirect.scatter.add.f32 [tilespmem:s26], [sflag:$0x4], $0x80, s9, s23, $0xb8;
	[tilespmem:$0x1D000] =	vst v63  }
0xc5: {  	_ =	swait.ge [sflag:s21], $0x1800  }
0xc6: {  	[sflag:s21] =	ssyncset.done $0x0  }
0xc7: {  	s10 =	simm.s32 $0x13CC0;
	[sflag:s21] =	ssyncadd.s32 $0xFFFFE800  }
0xc8: {  	[tilespmem:s26], [sflag:$0x1] =	stream.indirect.gather [hbm4b:s6+s23], $0x80, s10, s23, $0xb8;
	[tilespmem:$0x1D000] =	vst v63  }
0xc9: {  	_ =	swait.ge [sflag:s2], $0x1800  }
0xca: {  	[sflag:s2] =	ssyncset.done $0x0  }
0xcb: {  	s13 =	simm.s32 $0x163F0;
	[sflag:s2] =	ssyncadd.s32 $0xFFFFE800  }
0xcc: {  	[spmem:s3] =	stream.indirect.scatter.add.f32 [tilespmem:s30], [sflag:$0x3], $0x8, s13, s23, $0xb8;
	[tilespmem:$0x1D000] =	vst v63  }
0xcd: {  	_ = 	snop  }
0xce: {  	[spmem:s1] =	stream.indirect.scatter.add.f32 [tilespmem:s29], [sflag:$0x4], $0x80, s13, s23, $0xb8;
	[tilespmem:$0x1D000] =	vst v63  }
0xcf: {  	_ =	swait.ge [sflag:s21], $0x1800  }
0xd0: {  	[sflag:s21] =	ssyncset.done $0x0  }
0xd1: {  	[sflag:s21] =	ssyncadd.s32 $0xFFFFE800  }
0xd2: {  	s14 =	simm.s32 $0x16390;
	_ =	swait.ge [sflag:s0], $0x180  }
0xd3: {  	s8 =	simm.s32 $0xFFFF6880;
	s9 =	simm.s32 $0xFFFFD9C0;
	[sflag:s0] =	ssyncset.done $0x0  }
.LBB2_3:
0xd4: {  	s10 =	sadd.s32 $0x16330, s9  }
0xd5: {  	[sflag:s0] =	ssyncadd.s32 $0xFFFFFE80;
	s13 =	smov.u32 s8;
	s8 =	sadd.s32 $0x180, s8  }
0xd6: {  	[tilespmem:s29], [sflag:$0x2] =	stream.indirect.gather [hbm4b:s6+s23], $0x80, s10, s23, $0xb8;
	[tilespmem:$0x1D000] =	vst v63  }
0xd7: {  	p2 =	seq.s32 s8, $0x0;
	_ =	swait.ge [sflag:s31], $0x1800  }
0xd8: {  	[sflag:s31] =	ssyncset.done $0x0  }
0xd9: {  	s10 =	sadd.s32 $0x18A60, s9;
	[sflag:s31] =	ssyncadd.s32 $0xFFFFE800  }
0xda: {  	[spmem:s1] =	stream.indirect.scatter.add.f32 [tilespmem:s26], [sflag:$0x4], $0x80, s10, s23, $0xb8;
	[tilespmem:$0x1D000] =	vst v63  }
0xdb: {  	_ =	swait.ge [sflag:s21], $0x1800  }
0xdc: {  	[sflag:s21] =	ssyncset.done $0x0  }
0xdd: {  	s10 =	sadd.s32 $0x16360, s9;
	[sflag:s21] =	ssyncadd.s32 $0xFFFFE800  }
0xde: {  	[tilespmem:s26], [sflag:$0x1] =	stream.indirect.gather [hbm4b:s6+s23], $0x80, s10, s23, $0xb8;
	[tilespmem:$0x1D000] =	vst v63  }
0xdf: {  	_ =	swait.ge [sflag:s2], $0x1800  }
0xe0: {  	[sflag:s2] =	ssyncset.done $0x0  }
0xe1: {  	s9 =	sadd.s32 $0x18A90, s9;
	[sflag:s2] =	ssyncadd.s32 $0xFFFFE800  }
0xe2: {  	[spmem:s3] =	stream.indirect.scatter.add.f32 [tilespmem:s30], [sflag:$0x3], $0x8, s9, s23, $0xb8;
	[tilespmem:$0x1D000] =	vst v63  }
0xe3: {  	_ = 	snop  }
0xe4: {  	[spmem:s1] =	stream.indirect.scatter.add.f32 [tilespmem:s29], [sflag:$0x4], $0x80, s9, s23, $0xb8;
	[tilespmem:$0x1D000] =	vst v63  }
.Ltmp5:
0xe5: {  	_ =	swait.ge [sflag:s21], $0x1800;
	(pc) =	sbr.rel @!p2 .LBB2_3-.Ltmp5, $4  }
0xe6: {  	[sflag:s21] =	ssyncset.done $0x0  }
0xe7: {  	[sflag:s21] =	ssyncadd.s32 $0xFFFFE800  }
0xe8: {  	_ =	swait.ge [sflag:s0], $0x180  }
0xe9: {  	s9 =	sshra.s32 s13, $0x2;
	[sflag:s0] =	ssyncset.done $0x0  }
0xea: {  	s10 =	sadd.s32 $0x16330, s9;
	[sflag:s0] =	ssyncadd.s32 $0xFFFFFE80  }
0xeb: {  	[tilespmem:s29], [sflag:$0x2] =	stream.indirect.gather [hbm4b:s6+s23], $0x80, s10, s23, $0xb8;
	[tilespmem:$0x1D000] =	vst v63  }
0xec: {  	_ =	swait.ge [sflag:s31], $0x1800  }
0xed: {  	[sflag:s31] =	ssyncset.done $0x0  }
0xee: {  	s13 =	sadd.s32 $0x18A60, s9;
	[sflag:s31] =	ssyncadd.s32 $0xFFFFE800  }
0xef: {  	[spmem:s1] =	stream.indirect.scatter.add.f32 [tilespmem:s26], [sflag:$0x4], $0x80, s13, s23, $0xb8;
	[tilespmem:$0x1D000] =	vst v63  }
0xf0: {  	_ =	swait.ge [sflag:s21], $0x1800  }
0xf1: {  	[sflag:s21] =	ssyncset.done $0x0  }
0xf2: {  	s13 =	sadd.s32 $0x16360, s9;
	[sflag:s21] =	ssyncadd.s32 $0xFFFFE800  }
0xf3: {  	[tilespmem:s26], [sflag:$0x1] =	stream.indirect.gather [hbm4b:s6+s23], $0x80, s13, s23, $0xb8;
	[tilespmem:$0x1D000] =	vst v63  }
0xf4: {  	_ =	swait.ge [sflag:s2], $0x1800  }
0xf5: {  	[sflag:s2] =	ssyncset.done $0x0  }
0xf6: {  	s13 =	sadd.s32 $0x18A90, s9;
	[sflag:s2] =	ssyncadd.s32 $0xFFFFE800  }
0xf7: {  	[spmem:s3] =	stream.indirect.scatter.add.f32 [tilespmem:s30], [sflag:$0x3], $0x8, s13, s23, $0xb8;
	[tilespmem:$0x1D000] =	vst v63  }
0xf8: {  	_ = 	snop  }
0xf9: {  	[spmem:s1] =	stream.indirect.scatter.add.f32 [tilespmem:s29], [sflag:$0x4], $0x80, s13, s23, $0xb8;
	[tilespmem:$0x1D000] =	vst v63  }
0xfa: {  	_ =	swait.ge [sflag:s21], $0x1800  }
0xfb: {  	[sflag:s21] =	ssyncset.done $0x0  }
0xfc: {  	[sflag:s21] =	ssyncadd.s32 $0xFFFFE800  }
0xfd: {  	_ =	swait.ge [sflag:s0], $0x180  }
0xfe: {  	s8 =	sshra.s32 s8, $0x2;
	[sflag:s0] =	ssyncset.done $0x0  }
0xff: {  	s10 =	sadd.s32 $0x16330, s8;
	[sflag:s0] =	ssyncadd.s32 $0xFFFFFE80  }
0x100: {  	[tilespmem:s29], [sflag:$0x2] =	stream.indirect.gather [hbm4b:s6+s23], $0x80, s10, s23, $0xb8;
	[tilespmem:$0x1D000] =	vst v63  }
0x101: {  	_ =	swait.ge [sflag:s31], $0x1800  }
0x102: {  	[sflag:s31] =	ssyncset.done $0x0  }
0x103: {  	s13 =	sadd.s32 $0x18A60, s8;
	[sflag:s31] =	ssyncadd.s32 $0xFFFFE800  }
0x104: {  	[spmem:s1] =	stream.indirect.scatter.add.f32 [tilespmem:s26], [sflag:$0x4], $0x80, s13, s23, $0xb8;
	[tilespmem:$0x1D000] =	vst v63  }
0x105: {  	_ =	swait.ge [sflag:s21], $0x1800  }
0x106: {  	[sflag:s21] =	ssyncset.done $0x0  }
0x107: {  	[sflag:s21] =	ssyncadd.s32 $0xFFFFE800  }
0x108: {  	_ =	swait.ge [sflag:s2], $0x1800  }
0x109: {  	[sflag:s2] =	ssyncset.done $0x0  }
0x10a: {  	s8 =	sadd.s32 $0x18A90, s8;
	[sflag:s2] =	ssyncadd.s32 $0xFFFFE800  }
0x10b: {  	[spmem:s3] =	stream.indirect.scatter.add.f32 [tilespmem:s30], [sflag:$0x3], $0x8, s8, s23, $0xb8;
	[tilespmem:$0x1D000] =	vst v63  }
0x10c: {  	_ = 	snop  }
0x10d: {  	[spmem:s1] =	stream.indirect.scatter.add.f32 [tilespmem:s29], [sflag:$0x4], $0x80, s8, s23, $0xb8;
	[tilespmem:$0x1D000] =	vst v63  }
0x10e: {  	_ =	swait.ge [sflag:s21], $0x1800  }
.Ltmp6:
0x10f: {  	[sflag:s21] =	ssyncset.done $0x0;
	(pc) =	sbr.rel .LBB2_8-.Ltmp6, $4  }
0x110: {  	[sflag:s21] =	ssyncadd.s32 $0xFFFFE800  }
0x111: {  	_ =	swait.ge [sflag:s0], $0x180  }
0x112: {  	[sflag:s0] =	ssyncset.done $0x0  }
0x113: {  	[sflag:s0] =	ssyncadd.s32 $0xFFFFFE80  }
.LBB2_9:
0x114: {  	_ =	sfence.sel $0x180000  }
0x115: {  	[bflag:$0x0] =	sbarrier.arrive $0xFFFF  }
0x116: {  	_ =	strace $0x90000047  }
0x117: {  	s0 =	stileid.u32;
	[bflag:$0x2] =	sbarrier.arrive $0xFFFF  }
0x118: {  	p0 =	sne.s32 s0, $0x0;
	s0 =	rddreg [dreg:$0x4]  }
0x119: {  	s0 =	sadd.s32 @!p0 $0x100000, s0  }
0x11a: {  	[sflag:s0] =	ssyncadd.tile.s32 @!p0 $0x1;
	_ =	shalt  }
.Lfunc_end2:
_tile_overlayer_lowered:
.L_overlay_start_2:
0x11b: {  	(tag) =	ssettag $0x2  }
0x11c: {  	s0 =	rddreg [dreg:$0x0];
	s2 =	stileid.u32  }
0x11d: {  	s1 =	rddreg [dreg:$0x1];
	p0 =	sne.s32 s2, $0x0  }
0x11e: {  	s3 =	rddreg [dreg:$0x2];
	[bflag:$0x3] =	sbarrier.arrive $0xFFFF;
	s2 =	simm.s32 @!p0 $0x1C04  }
0x11f: {  	[timem:s3], [sflag:s2] =	dma.local @!p0 [hbm:s0], s1  }
0x120: {  	s0 =	simm.s32 @!p0 $0x4  }
0x121: {  	_ =	swait.ge @!p0 [sflag:s0], s1  }
0x122: {  	s1 =	ssub.s32 @!p0 $0x0, s1;
	[sflag:s0] =	ssyncset.done @!p0 $0x0  }
0x123: {  	[sflag:s0] =	ssyncadd.s32 @!p0 s1  }
0x124: {  	[bflag:$0x3] =	sbarrier.arrive $0xFFFF  }
0x125: {  	_ =	shalt  }

// kernel: kernel.9.cloned.1.call-start
scs
__scs_entry_jumppad:
0x0: {  	(pc) =	sbr.rel $0x88, $3  }
0x1: {  	(tag) =	ssettag $0x0;
	lr =	simm.s32 $0x1  }
0x2: {  	[smem:$0x3F97] =	sst lr;
	_ =	strace $0xD0000000  }
0x3: {  	_ = 	snop  }
0x4: {  	_ = 	snop  }
0x5: {  	_ = 	snop  }
0x6: {  	_ = 	snop  }
0x7: {  	_ = 	snop  }
__scs_overlays_trampoline_lowered:
0x8: {  	[smem:$0x3FA6] =	sst s0  }
0x9: {  	[smem:$0x3FA7] =	sst s1  }
0xa: {  	[smem:$0x3FA8] =	sst s2  }
0xb: {  	[smem:$0x3FA9] =	sst s3  }
0xc: {  	[smem:$0x3FAA] =	sst s4  }
0xd: {  	[smem:$0x3FAB] =	sst s5  }
0xe: {  	[smem:$0x3FAC] =	sst s6  }
0xf: {  	[smem:$0x3FAD] =	sst s7  }
0x10: {  	[smem:$0x3FAE] =	sst s8  }
0x11: {  	[smem:$0x3FAF] =	sst s9;
	s0 =	simm.s32 @!p0 $0x0  }
0x12: {  	s1 =	sld [smem:$0x3F95];
	s0 =	simm.s32 @p0 $0x1  }
0x13: {  	[smem:$0x3FB0] =	sst s0;
	s0 =	simm.s32 @!p1 $0x0  }
0x14: {  	s2 =	sld [smem:$0x3F94];
	s0 =	simm.s32 @p1 $0x1  }
0x15: {  	[smem:$0x3FB1] =	sst s0;
	s0 =	simm.s32 @!p2 $0x0  }
0x16: {  	s3 =	sld [smem:$0x3FDB];
	s0 =	simm.s32 @p2 $0x1  }
0x17: {  	s4 =	simm.s32 $0x1BF5;
	[smem:$0x3FB3] =	sst s0  }
0x18: {  	s0 =	sld [smem:$0x3F96];
	_ =	swait.ge [sflag:s4], $0x0  }
0x19: {  	s7 =	sld [smem:$0x3F97]  }
0x1a: {  	s8 =	sadd.s32 $0xFFFFE003, lr  }
0x1b: {  	s9 =	sadd.s32 $0xFFFFFEF7, lr;
	s5 =	simm.s32 $0xFFFFFFFF;
	p2 =	slt.u32 s8, $0xFFFFF086  }
0x1c: {  	p1 =	slt.u32 s9, $0xF7A;
	s5 =	simm.s32 @!p2 $0x0  }
0x1d: {  	s5 =	simm.s32 @p1 $0x1;
	p0 =	seq.s32 s7, s2  }
0x1e: {  	s7 =	smul.u32 @!p0 $0xF7A, s2;
	p2 =	seq.s32 @!p0 s5, $0x0  }
0x1f: {  	s9 =	smul.u32 $0xF7A, s1;
	s8 =	simm.s32 @!p0 $0x1BF5;
	p2 =	por !p2, p0  }
0x20: {  	[sflag:s8] =	ssyncset.s32 @!p0 $0xFFFFF086;
	s6 =	sadd.s32 @!p0 s3, s7;
	s7 =	simm.s32 @!p0 $0x108  }
0x21: {  	s3 =	sadd.s32 s3, s9;
	s6 =	sadd.s32 @!p0 $0x88, s6;
	s7 =	simm.s32 @p2 $0x1082  }
0x22: {  	[simem:s7], [sflag:s8] =	dma.local @!p0 [hbm:s6], $0xF7A  }
0x23: {  	s9 =	sor.u32 $0xD0000000, s2;
	s6 =	simm.s32 $0x108;
	_ =	swait.ge @!p0 [sflag:s8], $0x0  }
0x24: {  	s3 =	sadd.s32 $0x88, s3;
	s6 =	simm.s32 @!p1 $0x1082;
	[sflag:s4] =	ssyncset.s32 $0xFFFFF086  }
0x25: {  	[simem:s6], [sflag:s4] =	dma.local [hbm:s3], $0xF7A  }
0x26: {  	[smem:$0x3F97] =	sst s1;
	(tag) =	ssettag s2;
	_ =	strace s9  }
0x27: {  	s1 =	sld [smem:$0x3FA7]  }
0x28: {  	s2 =	sld [smem:$0x3FA8]  }
0x29: {  	s4 =	sld [smem:$0x3FAA]  }
0x2a: {  	p0 =	seq.s32 s5, $0x0;
	s5 =	sld [smem:$0x3FAB]  }
0x2b: {  	s6 =	sld [smem:$0x3FAC]  }
0x2c: {  	s7 =	sld [smem:$0x3FAD]  }
0x2d: {  	s3 =	simm.s32 $0x108;
	s8 =	sld [smem:$0x3FAE]  }
0x2e: {  	s3 =	simm.s32 @!p0 $0x1082;
	s9 =	sld [smem:$0x3FAF]  }
0x2f: {  	lr =	sadd.s32 s0, s3;
	s0 =	sld [smem:$0x3FA6]  }
0x30: {  	s3 =	sld [smem:$0x3FA9]  }
0x31: {  	[smem:$0x3FB2] =	sst s10  }
0x32: {  	s10 =	sld [smem:$0x3FB0];
	_ =	sdelay $0x3  }
0x33: {  	p0 =	seq.s32 s10, $0x1;
	s10 =	sld [smem:$0x3FB2];
	_ =	sdelay $0x3  }
0x34: {  	[smem:$0x3FB2] =	sst s10  }
0x35: {  	s10 =	sld [smem:$0x3FB1];
	_ =	sdelay $0x3  }
0x36: {  	p1 =	seq.s32 s10, $0x1;
	s10 =	sld [smem:$0x3FB2];
	_ =	sdelay $0x3  }
0x37: {  	[smem:$0x3FB2] =	sst s10  }
0x38: {  	s10 =	sld [smem:$0x3FB3]  }
0x39: {  	_ = 	snop;
	(pc) =	sbr.ind lr, $3  }
0x3a: {  	_ = 	snop  }
0x3b: {  	_ = 	snop  }
0x3c: {  	p2 =	seq.s32 s10, $0x1;
	s10 =	sld [smem:$0x3FB2]  }
0x3d: {  	_ =	shalt  }
0x3e: {  	_ =	shalt  }
0x3f: {  	_ =	shalt  }
0x40: {  	_ =	shalt  }
0x41: {  	_ =	shalt  }
0x42: {  	_ =	shalt  }
0x43: {  	_ =	shalt  }
0x44: {  	_ =	shalt  }
0x45: {  	_ =	shalt  }
0x46: {  	_ =	shalt  }
0x47: {  	_ =	shalt  }
0x48: {  	_ =	shalt  }
0x49: {  	_ =	shalt  }
0x4a: {  	_ =	shalt  }
0x4b: {  	_ =	shalt  }
0x4c: {  	_ =	shalt  }
0x4d: {  	_ =	shalt  }
0x4e: {  	_ =	shalt  }
0x4f: {  	_ =	shalt  }
0x50: {  	_ =	shalt  }
0x51: {  	_ =	shalt  }
0x52: {  	_ =	shalt  }
0x53: {  	_ =	shalt  }
0x54: {  	_ =	shalt  }
0x55: {  	_ =	shalt  }
0x56: {  	_ =	shalt  }
0x57: {  	_ =	shalt  }
0x58: {  	_ =	shalt  }
0x59: {  	_ =	shalt  }
0x5a: {  	_ =	shalt  }
0x5b: {  	_ =	shalt  }
0x5c: {  	_ =	shalt  }
0x5d: {  	_ =	shalt  }
0x5e: {  	_ =	shalt  }
0x5f: {  	_ =	shalt  }
0x60: {  	_ =	shalt  }
0x61: {  	_ =	shalt  }
0x62: {  	_ =	shalt  }
0x63: {  	_ =	shalt  }
0x64: {  	_ =	shalt  }
0x65: {  	_ =	shalt  }
0x66: {  	_ =	shalt  }
0x67: {  	_ =	shalt  }
0x68: {  	_ =	shalt  }
0x69: {  	_ =	shalt  }
0x6a: {  	_ =	shalt  }
0x6b: {  	_ =	shalt  }
0x6c: {  	_ =	shalt  }
0x6d: {  	_ =	shalt  }
0x6e: {  	_ =	shalt  }
0x6f: {  	_ =	shalt  }
0x70: {  	_ =	shalt  }
0x71: {  	_ =	shalt  }
0x72: {  	_ =	shalt  }
0x73: {  	_ =	shalt  }
0x74: {  	_ =	shalt  }
0x75: {  	_ =	shalt  }
0x76: {  	_ =	shalt  }
0x77: {  	_ =	shalt  }
0x78: {  	_ =	shalt  }
0x79: {  	_ =	shalt  }
0x7a: {  	_ =	shalt  }
0x7b: {  	_ =	shalt  }
0x7c: {  	_ =	shalt  }
0x7d: {  	_ =	shalt  }
0x7e: {  	_ =	shalt  }
0x7f: {  	_ =	shalt  }
0x80: {  	_ =	shalt  }
0x81: {  	_ =	shalt  }
0x82: {  	_ =	shalt  }
0x83: {  	_ =	shalt  }
0x84: {  	_ =	shalt  }
0x85: {  	_ =	shalt  }
0x86: {  	_ =	shalt  }
0x87: {  	_ =	shalt  }
.Lfunc_end0:
.L_simem_size_0:
called_computation.1_lowered:
.L_overlay_start_0:
0x88: {  	s2 =	sld [smem:$0x3FD9]  }
0x89: {  	s3 =	sld [smem:$0x3FFE];
	_ =	sdelay $0x1  }
0x8a: {  	s1 =	srdreg.scid  }
0x8b: {  	s0 =	sand.u32 $0x1, s1  }
0x8c: {  	s17 =	sshll.u32 s0, $0xA;
	s2 =	sadd.s32 s3, s2  }
0x8d: {  	s2 =	sadd.s32 s2, s17  }
0x8e: {  	[smem:$0x3FBE] =	sst s2  }
0x8f: {  	_ = 	snop  }
0x90: {  	s2 =	sld [smem:$0x3FD0];
	(tm) =	ssettm $0x1  }
0x91: {  	s18 =	sld [smem:$0x3FFB];
	_ =	sdelay $0x3  }
0x92: {  	_ =	strace s18  }
0x93: {  	s3 =	sld [smem:$0x3FFC];
	_ =	sdelay $0x3  }
0x94: {  	_ =	strace s3  }
0x95: {  	s3 =	sld [smem:$0x3FFD];
	_ =	sdelay $0x3  }
0x96: {  	_ =	strace s3  }
0x97: {  	_ =	strace $0x8FFFFFFF  }
0x98: {  	s19 =	sld [smem:$0x3FDB];
	_ =	sdelay $0x1  }
0x99: {  	s4 =	simm.s32 $_scs_section_size  }
0x9a: {  	s5 =	simm.s32 $_size__tile_overlayer_lowered;
	s6 =	simm.s32 $_tile_overlayer_lowered  }
0x9b: {  	s22 =	simm.s32 $0x1BFF;
	s21 =	sshll.u32 s6, $0x1;
	s3 =	sadd.s32 s4, s19  }
0x9c: {  	s7 =	simm.s32 $0x0;
	s20 =	sshll.u32 s5, $0x1;
	s5 =	sadd.s32 s21, s3  }
0x9d: {  	[timem:s7], [sflag:s22] =	dma.local [hbm:s5], s20  }
0x9e: {  	_ =	swait.ge [sflag:s22], s20  }
0x9f: {  	s4 =	ssub.s32 $0x0, s20;
	[sflag:s22] =	ssyncset.done $0x0  }
0xa0: {  	[sflag:s22] =	ssyncadd.s32 s4;
	_ =	sdelay $0x1  }
0xa1: {  	s23 =	simm.s32 $0x1B8B  }
0xa2: {  	_ =	swait.ge [sflag:s23], $0x1  }
0xa3: {  	[sflag:s23] =	ssyncset.done $0x0  }
0xa4: {  	s25 =	simm.s32 $0x1B8E;
	s24 =	sld [smem:$0x3FFE];
	[sflag:s23] =	ssyncadd.s32 $0xFFFFFFFF  }
0xa5: {  	s26 =	simm.s32 $execute0_lowered;
	[smem:$0x3FD2] =	sst s25  }
0xa6: {  	s5 =	sshll.u32 s26, $0x1;
	_ =	strace $0x80000049;
	[dreg:$0x1] =	wrdreg $0xFFFFFFFF  }
0xa7: {  	s28 =	simm.s32 $_size_execute0_lowered;
	s3 =	sadd.s32 s3, s5;
	[dreg:$0x0] =	wrdreg $0x0  }
0xa8: {  	s5 =	sshll.u32 s28, $0x1;
	[dreg:$0x2] =	wrdreg s3  }
0xa9: {  	[dreg:$0x3] =	wrdreg s5  }
0xaa: {  	[dreg:$0x4] =	wrdreg $0xC0  }
0xab: {  	_ =	task [dreg:s7], $0x5FFFF  }
0xac: {  	[dreg:$0x1] =	wrdreg $0xFFFFFFFF  }
0xad: {  	[dreg:$0x0] =	wrdreg $0x60  }
0xae: {  	[dreg:$0x2] =	wrdreg s24  }
0xaf: {  	[dreg:$0x3] =	wrdreg s2  }
0xb0: {  	[dreg:$0x4] =	wrdreg $0x0  }
0xb1: {  	[dreg:$0x5] =	wrdreg $0x9  }
0xb2: {  	_ =	task.clear_ibuf [dreg:s7], $0x6FFFF;
	_ =	strace $0x90000049  }
0xb3: {  	s29 =	simm.s32 $0x9;
	_ =	strace $0x8000004B  }
0xb4: {  	_ =	swait.ge [sflag:s29], $0x1  }
0xb5: {  	[sflag:s29] =	ssyncadd.s32 $0xFFFFFFFF  }
0xb6: {  	_ =	strace $0x9000004B  }
0xb7: {  	_ =	sfence  }
0xb8: {  	s30 =	sld [smem:$0x0];
	_ =	sdelay $0x2  }
0xb9: {  	s31 =	sshll.u32 s1, $0xD;
	s1 =	sshrl.u32 s1, $0x2  }
0xba: {  	s3 =	sand.u32 $0x4000, s31;
	s1 =	sadd.s32 s1, s30  }
0xbb: {  	s0 =	sor.u32 s3, s0;
	s1 =	sshll.u32 s1, $0x11  }
0xbc: {  	s0 =	sor.u32 s1, s0  }
0xbd: {  	s0 =	sadd.s32 $0x8F2B, s0  }
0xbe: {  	[sflag:s0] =	ssyncadd.remote.s32 $0x1  }
0xbf: {  	_ =	sfence.sel $0xFFFF  }
0xc0: {  	[dreg:$0x0] =	wrdreg $0xFFFFFFFF;
	(pc) =	sbr.abs _section_cstart, $3  }
0xc1: {  	[dreg:$0x1] =	wrdreg $0xFFFFFFFF  }
0xc2: {  	_ =	task.clear_ibuf [dreg:s7], $0x2FFFF;
	_ =	strace $0x9FFFFFFF  }
0xc3: {  	(tm) =	ssettm $0x7FFFFFFF  }
tec
execute0_lowered:
.L_overlay_start_1:
0x0: {  	(tag) =	ssettag $0x1  }
0x1: {  	s6 =	rddreg [dreg:$0x0]  }
0x2: {  	s11 =	rddreg [dreg:$0x1]  }
0x3: {  	s2 =	rddreg [dreg:$0x2]  }
0x4: {  	s3 =	simm.s32 $0x0;
	s0 =	stileid.u32;
	s4 =	srdreg.scid  }
0x5: {  	s15 =	simm.s32 $0x3;
	s16 =	simm.s32 $0x16360;
	s17 =	simm.s32 $0x30  }
0x6: {  	s18 =	simm.s32 $0x18AC0;
	s19 =	simm.s32 $0x13C30;
	s20 =	simm.s32 $0x1A2C0  }
0x7: {  	s23 =	simm.s32 $0x1;
	s24 =	simm.s32 $0x13C60;
	s26 =	simm.s32 $0x2  }
0x8: {  	s28 =	simm.s32 $0x16390;
	s29 =	simm.s32 $0x0;
	[smem:$0x7FF] =	sst s3  }
0x9: {  	s7 =	smul.u32 $0x4EC, s0;
	s9 =	sand.u32 $0x1, s4;
	s4 =	sadd.s32 $0x5D800, s6  }
0xa: {  	s10 =	smul.u32 $0x13C00, s0;
	s5 =	sadd.s32 $0x84A00, s6;
	s25 =	sadd.s32 $0x128400, s2  }
0xb: {  	s21 =	sshll.u32 s0, $0x6;
	p1 =	seq.s32 s0, $0xF;
	_ =	strace $0x8000004A  }
0xc: {  	s8 =	ssub.s32 $0x2, s9;
	s13 =	smul.u32 $0x138800, s9;
	p0 =	seq.s32 s9, $0x0  }
0xd: {  	s21 =	sor.u32 $0x1C03, s21;
	s25 =	sshrl.u32 @p1 s25, $0x3;
	s12 =	sshrl.u32 s8, $0x1  }
0xe: {  	s14 =	sadd.s32 s7, s6;
	s6 =	sadd.s32 $0x5B000, s6;
	s9 =	sadd.s32 s10, s2  }
.Ltmp0:
0xf: {  	s12 =	ssub.s32 s8, s12;
	s7 =	sadd.s32 $0x56000, s14;
	(pc) =	sbr.rel .LBB2_1-.Ltmp0, $4  }
0x10: {  	s8 =	sadd.s32 $0x51000, s14;
	s31 =	sadd.s32 s10, s13;
	s13 =	sshrl.u32 s13, $0x3  }
0x11: {  	s22 =	sshrl.u32 s9, $0x3;
	s14 =	sshrl.u32 s31, $0x3;
	s12 =	smax.u32 s12, $0x1  }
0x12: {  	s10 =	sadd.s32 s11, s14;
	s11 =	sadd.s32 s11, s13;
	s13 =	smov.u32 s5  }
0x13: {  	s14 =	simm.s32 $0x13C00;
	s11 =	sadd.s32 $0x25080, s11;
	s13 =	smov.u32 @p0 s4  }
.LBB2_7:
0x14: {  	s0 =	sadd.s32 $0x16330, s31;
	[sflag:s15] =	ssyncadd.s32 $0xFFFFE800  }
0x15: {  	[tilespmem:s20], [sflag:$0x2] =	stream.indirect.gather [hbm4b:s4+s17], $0x80, s0, s17, $0xb8;
	[tilespmem:$0x1BAC0] =	vst v63  }
0x16: {  	_ =	swait.ge [sflag:s23], $0x1800  }
0x17: {  	[sflag:s23] =	ssyncset.done $0x0  }
0x18: {  	s1 =	sadd.s32 $0x18A60, s31;
	[sflag:s23] =	ssyncadd.s32 $0xFFFFE800  }
0x19: {  	[spmem:s2] =	stream.indirect.scatter.add.f32 [tilespmem:s18], [sflag:$0x3], $0x80, s1, s17, $0xb8;
	[tilespmem:$0x1BAC0] =	vst v63  }
0x1a: {  	_ =	swait.ge [sflag:s15], $0x1800  }
0x1b: {  	[sflag:s15] =	ssyncset.done $0x0  }
0x1c: {  	s1 =	sadd.s32 $0x16360, s31;
	[sflag:s15] =	ssyncadd.s32 $0xFFFFE800  }
0x1d: {  	[tilespmem:s18], [sflag:$0x1] =	stream.indirect.gather [hbm4b:s4+s17], $0x80, s1, s17, $0xb8;
	[tilespmem:$0x1BAC0] =	vst v63  }
0x1e: {  	_ =	swait.ge [sflag:s26], $0x1800  }
0x1f: {  	[sflag:s26] =	ssyncset.done $0x0  }
0x20: {  	s1 =	sadd.s32 $0x18A90, s31;
	[sflag:s26] =	ssyncadd.s32 $0xFFFFE800  }
0x21: {  	[spmem:s2] =	stream.indirect.scatter.add.f32 [tilespmem:s20], [sflag:$0x3], $0x80, s1, s17, $0xb8;
	[tilespmem:$0x1BAC0] =	vst v63  }
0x22: {  	_ =	swait.ge [sflag:s15], $0x1800  }
0x23: {  	s30 =	sshra.s32 s30, $0x2;
	[sflag:s15] =	ssyncset.done $0x0  }
0x24: {  	s1 =	sadd.s32 $0x16330, s30;
	[sflag:s15] =	ssyncadd.s32 $0xFFFFE800  }
0x25: {  	[tilespmem:s20], [sflag:$0x2] =	stream.indirect.gather [hbm4b:s4+s17], $0x80, s1, s17, $0xb8;
	[tilespmem:$0x1BAC0] =	vst v63  }
0x26: {  	_ =	swait.ge [sflag:s23], $0x1800  }
0x27: {  	[sflag:s23] =	ssyncset.done $0x0  }
0x28: {  	s31 =	sadd.s32 $0x18A60, s30;
	[sflag:s23] =	ssyncadd.s32 $0xFFFFE800  }
0x29: {  	[spmem:s2] =	stream.indirect.scatter.add.f32 [tilespmem:s18], [sflag:$0x3], $0x80, s31, s17, $0xb8;
	[tilespmem:$0x1BAC0] =	vst v63  }
0x2a: {  	_ =	swait.ge [sflag:s15], $0x1800  }
0x2b: {  	[sflag:s15] =	ssyncset.done $0x0  }
0x2c: {  	[sflag:s15] =	ssyncadd.s32 $0xFFFFE800  }
0x2d: {  	_ =	swait.ge [sflag:s26], $0x1800  }
0x2e: {  	[sflag:s26] =	ssyncset.done $0x0  }
0x2f: {  	s0 =	sadd.s32 $0x18A90, s30;
	[sflag:s26] =	ssyncadd.s32 $0xFFFFE800  }
0x30: {  	[spmem:s2] =	stream.indirect.scatter.add.f32 [tilespmem:s20], [sflag:$0x3], $0x80, s0, s17, $0xb8;
	[tilespmem:$0x1BAC0] =	vst v63  }
0x31: {  	_ =	swait.ge [sflag:s15], $0x1800  }
0x32: {  	[sflag:s15] =	ssyncset.done $0x0  }
0x33: {  	[sflag:s15] =	ssyncadd.s32 $0xFFFFE800  }
.LBB2_8:
0x34: {  	[bflag:$0x0] =	sbarrier.arrive $0xFFFF;
	s0 =	simm.s32 @p1 $0x3  }
0x35: {  	[hbm:s11], [sflag:s21] =	dma.local @p1 [spmem:s25], $0x2080  }
0x36: {  	_ =	swait.ge @p1 [sflag:s0], $0x2080  }
0x37: {  	s29 =	sadd.s32 $0x1, s29;
	[sflag:s0] =	ssyncset.done @p1 $0x0  }
0x38: {  	p2 =	sne.s32 s29, s12;
	[sflag:s0] =	ssyncadd.s32 @p1 $0xFFFFDF80;
	s0 =	sshrl.u32 @!p1 s9, $0x3  }
0x39: {  	[hbm:s10], [sflag:s21] =	dma.local @!p1 [spmem:s0], $0x2780  }
.Ltmp1:
0x3a: {  	_ = 	snop;
	(pc) =	sbr.rel @!p2 .LBB2_9-.Ltmp1, $4  }
0x3b: {  	s0 =	simm.s32 @!p1 $0x3  }
0x3c: {  	_ =	swait.ge @!p1 [sflag:s0], $0x2780  }
0x3d: {  	[sflag:s0] =	ssyncset.done @!p1 $0x0  }
0x3e: {  	[sflag:s0] =	ssyncadd.s32 @!p1 $0xFFFFD880  }
.LBB2_1:
0x3f: {  	[tilespmem:s14], [sflag:$0x3] =	stream.linear.gather [hbm4b:s7+s3], $0x2760, $0x38;
	[tilespmem:$0x1BAC0] =	vst v63  }
0x40: {  	_ =	swait.ge [sflag:s15], $0x2760  }
0x41: {  	[sflag:s15] =	ssyncset.done $0x0  }
0x42: {  	[sflag:s15] =	ssyncadd.s32 $0xFFFFD8A0  }
0x43: {  	[tilespmem:s16], [sflag:$0x3] =	stream.linear.gather [hbm4b:s8+s3], $0x2760, $0x38;
	[tilespmem:$0x1BAC0] =	vst v63  }
0x44: {  	_ =	swait.ge [sflag:s15], $0x2760  }
0x45: {  	[sflag:s15] =	ssyncset.done $0x0  }
0x46: {  	[sflag:s15] =	ssyncadd.s32 $0xFFFFD8A0  }
0x47: {  	[tilespmem:s18], [sflag:$0x1] =	stream.indirect.gather [hbm4b:s13+s17], $0x80, s14, s17, $0xb8;
	[tilespmem:$0x1BAC0] =	vst v63  }
0x48: {  	_ = 	snop  }
0x49: {  	[tilespmem:s20], [sflag:$0x2] =	stream.indirect.gather [hbm4b:s13+s17], $0x80, s19, s17, $0xb8;
	[tilespmem:$0x1BAC0] =	vst v63  }
0x4a: {  	[spmem:s22], [sflag:s21] =	dma.local [hbm:s6], $0x2780  }
0x4b: {  	_ =	swait.ge [sflag:s15], $0x2780  }
0x4c: {  	[sflag:s15] =	ssyncset.done $0x0  }
0x4d: {  	[sflag:s15] =	ssyncadd.s32 $0xFFFFD880  }
0x4e: {  	[bflag:$0x0] =	sbarrier.arrive $0xFFFF  }
0x4f: {  	_ =	swait.ge [sflag:s23], $0x1800  }
0x50: {  	[sflag:s23] =	ssyncset.done $0x0  }
.Ltmp2:
0x51: {  	[sflag:s23] =	ssyncadd.s32 $0xFFFFE800;
	(pc) =	sbr.rel @!p0 .LBB2_2-.Ltmp2, $4  }
0x52: {  	[spmem:s2] =	stream.indirect.scatter.add.f32 [tilespmem:s18], [sflag:$0x3], $0x80, s16, s17, $0xb8;
	[tilespmem:$0x1BAC0] =	vst v63  }
0x53: {  	_ =	swait.ge [sflag:s15], $0x1800  }
0x54: {  	[sflag:s15] =	ssyncset.done $0x0  }
0x55: {  	[sflag:s15] =	ssyncadd.s32 $0xFFFFE800  }
0x56: {  	[tilespmem:s18], [sflag:$0x1] =	stream.indirect.gather [hbm4b:s4+s17], $0x80, s24, s17, $0xb8;
	[tilespmem:$0x1BAC0] =	vst v63  }
0x57: {  	_ =	swait.ge [sflag:s26], $0x1800  }
0x58: {  	[sflag:s26] =	ssyncset.done $0x0  }
0x59: {  	[sflag:s26] =	ssyncadd.s32 $0xFFFFE800  }
0x5a: {  	[spmem:s2] =	stream.indirect.scatter.add.f32 [tilespmem:s20], [sflag:$0x3], $0x80, s28, s17, $0xb8;
	[tilespmem:$0x1BAC0] =	vst v63  }
0x5b: {  	_ =	swait.ge [sflag:s15], $0x1800  }
0x5c: {  	[sflag:s15] =	ssyncset.done $0x0  }
0x5d: {  	s30 =	simm.s32 $0x13C90;
	[sflag:s15] =	ssyncadd.s32 $0xFFFFE800  }
0x5e: {  	[tilespmem:s20], [sflag:$0x2] =	stream.indirect.gather [hbm4b:s4+s17], $0x80, s30, s17, $0xb8;
	[tilespmem:$0x1BAC0] =	vst v63  }
0x5f: {  	_ =	swait.ge [sflag:s23], $0x1800  }
0x60: {  	[sflag:s23] =	ssyncset.done $0x0  }
0x61: {  	s30 =	simm.s32 $0x163C0;
	[sflag:s23] =	ssyncadd.s32 $0xFFFFE800  }
0x62: {  	[spmem:s2] =	stream.indirect.scatter.add.f32 [tilespmem:s18], [sflag:$0x3], $0x80, s30, s17, $0xb8;
	[tilespmem:$0x1BAC0] =	vst v63  }
0x63: {  	_ =	swait.ge [sflag:s15], $0x1800  }
0x64: {  	[sflag:s15] =	ssyncset.done $0x0  }
0x65: {  	s30 =	simm.s32 $0x13CC0;
	[sflag:s15] =	ssyncadd.s32 $0xFFFFE800  }
0x66: {  	[tilespmem:s18], [sflag:$0x1] =	stream.indirect.gather [hbm4b:s4+s17], $0x80, s30, s17, $0xb8;
	[tilespmem:$0x1BAC0] =	vst v63  }
0x67: {  	_ =	swait.ge [sflag:s26], $0x1800  }
0x68: {  	[sflag:s26] =	ssyncset.done $0x0  }
0x69: {  	s30 =	simm.s32 $0x163F0;
	[sflag:s26] =	ssyncadd.s32 $0xFFFFE800  }
0x6a: {  	[spmem:s2] =	stream.indirect.scatter.add.f32 [tilespmem:s20], [sflag:$0x3], $0x80, s30, s17, $0xb8;
	[tilespmem:$0x1BAC0] =	vst v63  }
0x6b: {  	_ =	swait.ge [sflag:s15], $0x1800  }
0x6c: {  	s31 =	simm.s32 $0xFFFFD9C0;
	s30 =	simm.s32 $0xFFFF6880;
	[sflag:s15] =	ssyncset.done $0x0  }
.LBB2_6:
0x6d: {  	s0 =	sadd.s32 $0x16330, s31  }
0x6e: {  	[sflag:s15] =	ssyncadd.s32 $0xFFFFE800;
	s1 =	smov.u32 s30;
	s30 =	sadd.s32 $0x180, s30  }
0x6f: {  	[tilespmem:s20], [sflag:$0x2] =	stream.indirect.gather [hbm4b:s4+s17], $0x80, s0, s17, $0xb8;
	[tilespmem:$0x1BAC0] =	vst v63  }
0x70: {  	p2 =	seq.s32 s30, $0x0;
	_ =	swait.ge [sflag:s23], $0x1800  }
0x71: {  	[sflag:s23] =	ssyncset.done $0x0  }
0x72: {  	s0 =	sadd.s32 $0x18A60, s31;
	[sflag:s23] =	ssyncadd.s32 $0xFFFFE800  }
0x73: {  	[spmem:s2] =	stream.indirect.scatter.add.f32 [tilespmem:s18], [sflag:$0x3], $0x80, s0, s17, $0xb8;
	[tilespmem:$0x1BAC0] =	vst v63  }
0x74: {  	_ =	swait.ge [sflag:s15], $0x1800  }
0x75: {  	[sflag:s15] =	ssyncset.done $0x0  }
0x76: {  	s0 =	sadd.s32 $0x16360, s31;
	[sflag:s15] =	ssyncadd.s32 $0xFFFFE800  }
0x77: {  	[tilespmem:s18], [sflag:$0x1] =	stream.indirect.gather [hbm4b:s4+s17], $0x80, s0, s17, $0xb8;
	[tilespmem:$0x1BAC0] =	vst v63  }
0x78: {  	_ =	swait.ge [sflag:s26], $0x1800  }
.Ltmp3:
0x79: {  	[sflag:s26] =	ssyncset.done $0x0;
	(pc) =	sbr.rel @!p2 .LBB2_6-.Ltmp3, $4  }
0x7a: {  	s0 =	sadd.s32 $0x18A90, s31;
	[sflag:s26] =	ssyncadd.s32 $0xFFFFE800  }
0x7b: {  	[spmem:s2] =	stream.indirect.scatter.add.f32 [tilespmem:s20], [sflag:$0x3], $0x80, s0, s17, $0xb8;
	[tilespmem:$0x1BAC0] =	vst v63  }
0x7c: {  	_ =	swait.ge [sflag:s15], $0x1800  }
0x7d: {  	s31 =	sshra.s32 s1, $0x2;
	[sflag:s15] =	ssyncset.done $0x0  }
.Ltmp4:
0x7e: {  	_ = 	snop;
	(pc) =	sbr.rel .LBB2_7-.Ltmp4, $1  }
0x7f: {  	_ =	sdelay $0x3  }
.LBB2_2:
0x80: {  	[tilespmem:s18], [sflag:$0x1] =	stream.indirect.gather [hbm4b:s5+s17], $0x80, s24, s17, $0xb8;
	[tilespmem:$0x1BAC0] =	vst v63  }
0x81: {  	_ =	swait.ge [sflag:s26], $0x1800  }
0x82: {  	[sflag:s26] =	ssyncset.done $0x0  }
0x83: {  	[sflag:s26] =	ssyncadd.s32 $0xFFFFE800  }
0x84: {  	[spmem:s2] =	stream.indirect.scatter.add.f32 [tilespmem:s20], [sflag:$0x3], $0x80, s28, s17, $0xb8;
	[tilespmem:$0x1BAC0] =	vst v63  }
0x85: {  	_ =	swait.ge [sflag:s15], $0x1800  }
0x86: {  	[sflag:s15] =	ssyncset.done $0x0  }
0x87: {  	s0 =	simm.s32 $0x13C90;
	[sflag:s15] =	ssyncadd.s32 $0xFFFFE800  }
0x88: {  	[tilespmem:s20], [sflag:$0x2] =	stream.indirect.gather [hbm4b:s5+s17], $0x80, s0, s17, $0xb8;
	[tilespmem:$0x1BAC0] =	vst v63  }
0x89: {  	_ =	swait.ge [sflag:s23], $0x1800  }
0x8a: {  	[sflag:s23] =	ssyncset.done $0x0  }
0x8b: {  	s1 =	simm.s32 $0x163C0;
	[sflag:s23] =	ssyncadd.s32 $0xFFFFE800  }
0x8c: {  	[spmem:s2] =	stream.indirect.scatter.add.f32 [tilespmem:s18], [sflag:$0x3], $0x80, s1, s17, $0xb8;
	[tilespmem:$0x1BAC0] =	vst v63  }
0x8d: {  	_ =	swait.ge [sflag:s15], $0x1800  }
0x8e: {  	[sflag:s15] =	ssyncset.done $0x0  }
0x8f: {  	s1 =	simm.s32 $0x13CC0;
	[sflag:s15] =	ssyncadd.s32 $0xFFFFE800  }
0x90: {  	[tilespmem:s18], [sflag:$0x1] =	stream.indirect.gather [hbm4b:s5+s17], $0x80, s1, s17, $0xb8;
	[tilespmem:$0x1BAC0] =	vst v63  }
0x91: {  	_ =	swait.ge [sflag:s26], $0x1800  }
0x92: {  	[sflag:s26] =	ssyncset.done $0x0  }
0x93: {  	s1 =	simm.s32 $0x163F0;
	[sflag:s26] =	ssyncadd.s32 $0xFFFFE800  }
0x94: {  	[spmem:s2] =	stream.indirect.scatter.add.f32 [tilespmem:s20], [sflag:$0x3], $0x80, s1, s17, $0xb8;
	[tilespmem:$0x1BAC0] =	vst v63  }
0x95: {  	_ =	swait.ge [sflag:s15], $0x1800  }
0x96: {  	s30 =	simm.s32 $0xFFFF6880;
	s31 =	simm.s32 $0xFFFFD9C0;
	[sflag:s15] =	ssyncset.done $0x0  }
.LBB2_3:
0x97: {  	s0 =	sadd.s32 $0x16330, s31  }
0x98: {  	[sflag:s15] =	ssyncadd.s32 $0xFFFFE800;
	s1 =	smov.u32 s30;
	s30 =	sadd.s32 $0x180, s30  }
0x99: {  	[tilespmem:s20], [sflag:$0x2] =	stream.indirect.gather [hbm4b:s5+s17], $0x80, s0, s17, $0xb8;
	[tilespmem:$0x1BAC0] =	vst v63  }
0x9a: {  	p2 =	seq.s32 s30, $0x0;
	_ =	swait.ge [sflag:s23], $0x1800  }
0x9b: {  	[sflag:s23] =	ssyncset.done $0x0  }
0x9c: {  	s0 =	sadd.s32 $0x18A60, s31;
	[sflag:s23] =	ssyncadd.s32 $0xFFFFE800  }
0x9d: {  	[spmem:s2] =	stream.indirect.scatter.add.f32 [tilespmem:s18], [sflag:$0x3], $0x80, s0, s17, $0xb8;
	[tilespmem:$0x1BAC0] =	vst v63  }
0x9e: {  	_ =	swait.ge [sflag:s15], $0x1800  }
0x9f: {  	[sflag:s15] =	ssyncset.done $0x0  }
0xa0: {  	s0 =	sadd.s32 $0x16360, s31;
	[sflag:s15] =	ssyncadd.s32 $0xFFFFE800  }
0xa1: {  	[tilespmem:s18], [sflag:$0x1] =	stream.indirect.gather [hbm4b:s5+s17], $0x80, s0, s17, $0xb8;
	[tilespmem:$0x1BAC0] =	vst v63  }
0xa2: {  	_ =	swait.ge [sflag:s26], $0x1800  }
.Ltmp5:
0xa3: {  	[sflag:s26] =	ssyncset.done $0x0;
	(pc) =	sbr.rel @!p2 .LBB2_3-.Ltmp5, $4  }
0xa4: {  	s0 =	sadd.s32 $0x18A90, s31;
	[sflag:s26] =	ssyncadd.s32 $0xFFFFE800  }
0xa5: {  	[spmem:s2] =	stream.indirect.scatter.add.f32 [tilespmem:s20], [sflag:$0x3], $0x80, s0, s17, $0xb8;
	[tilespmem:$0x1BAC0] =	vst v63  }
0xa6: {  	_ =	swait.ge [sflag:s15], $0x1800  }
0xa7: {  	s31 =	sshra.s32 s1, $0x2;
	[sflag:s15] =	ssyncset.done $0x0  }
0xa8: {  	s0 =	sadd.s32 $0x16330, s31;
	[sflag:s15] =	ssyncadd.s32 $0xFFFFE800  }
0xa9: {  	[tilespmem:s20], [sflag:$0x2] =	stream.indirect.gather [hbm4b:s5+s17], $0x80, s0, s17, $0xb8;
	[tilespmem:$0x1BAC0] =	vst v63  }
0xaa: {  	_ =	swait.ge [sflag:s23], $0x1800  }
0xab: {  	[sflag:s23] =	ssyncset.done $0x0  }
0xac: {  	s1 =	sadd.s32 $0x18A60, s31;
	[sflag:s23] =	ssyncadd.s32 $0xFFFFE800  }
0xad: {  	[spmem:s2] =	stream.indirect.scatter.add.f32 [tilespmem:s18], [sflag:$0x3], $0x80, s1, s17, $0xb8;
	[tilespmem:$0x1BAC0] =	vst v63  }
0xae: {  	_ =	swait.ge [sflag:s15], $0x1800  }
0xaf: {  	[sflag:s15] =	ssyncset.done $0x0  }
0xb0: {  	s1 =	sadd.s32 $0x16360, s31;
	[sflag:s15] =	ssyncadd.s32 $0xFFFFE800  }
0xb1: {  	[tilespmem:s18], [sflag:$0x1] =	stream.indirect.gather [hbm4b:s5+s17], $0x80, s1, s17, $0xb8;
	[tilespmem:$0x1BAC0] =	vst v63  }
0xb2: {  	_ =	swait.ge [sflag:s26], $0x1800  }
0xb3: {  	[sflag:s26] =	ssyncset.done $0x0  }
0xb4: {  	s1 =	sadd.s32 $0x18A90, s31;
	[sflag:s26] =	ssyncadd.s32 $0xFFFFE800  }
0xb5: {  	[spmem:s2] =	stream.indirect.scatter.add.f32 [tilespmem:s20], [sflag:$0x3], $0x80, s1, s17, $0xb8;
	[tilespmem:$0x1BAC0] =	vst v63  }
0xb6: {  	_ =	swait.ge [sflag:s15], $0x1800  }
0xb7: {  	s30 =	sshra.s32 s30, $0x2;
	[sflag:s15] =	ssyncset.done $0x0  }
0xb8: {  	s1 =	sadd.s32 $0x16330, s30;
	[sflag:s15] =	ssyncadd.s32 $0xFFFFE800  }
0xb9: {  	[tilespmem:s20], [sflag:$0x2] =	stream.indirect.gather [hbm4b:s5+s17], $0x80, s1, s17, $0xb8;
	[tilespmem:$0x1BAC0] =	vst v63  }
0xba: {  	_ =	swait.ge [sflag:s23], $0x1800  }
0xbb: {  	[sflag:s23] =	ssyncset.done $0x0  }
0xbc: {  	s31 =	sadd.s32 $0x18A60, s30;
	[sflag:s23] =	ssyncadd.s32 $0xFFFFE800  }
0xbd: {  	[spmem:s2] =	stream.indirect.scatter.add.f32 [tilespmem:s18], [sflag:$0x3], $0x80, s31, s17, $0xb8;
	[tilespmem:$0x1BAC0] =	vst v63  }
0xbe: {  	_ =	swait.ge [sflag:s15], $0x1800  }
0xbf: {  	[sflag:s15] =	ssyncset.done $0x0  }
0xc0: {  	[sflag:s15] =	ssyncadd.s32 $0xFFFFE800  }
0xc1: {  	_ =	swait.ge [sflag:s26], $0x1800  }
0xc2: {  	[sflag:s26] =	ssyncset.done $0x0  }
.Ltmp6:
0xc3: {  	s0 =	sadd.s32 $0x18A90, s30;
	[sflag:s26] =	ssyncadd.s32 $0xFFFFE800;
	(pc) =	sbr.rel .LBB2_8-.Ltmp6, $4  }
0xc4: {  	[spmem:s2] =	stream.indirect.scatter.add.f32 [tilespmem:s20], [sflag:$0x3], $0x80, s0, s17, $0xb8;
	[tilespmem:$0x1BAC0] =	vst v63  }
0xc5: {  	_ =	swait.ge [sflag:s15], $0x1800  }
0xc6: {  	[sflag:s15] =	ssyncset.done $0x0  }
0xc7: {  	[sflag:s15] =	ssyncadd.s32 $0xFFFFE800  }
.LBB2_9:
0xc8: {  	_ =	sfence.sel $0x180000  }
0xc9: {  	[bflag:$0x0] =	sbarrier.arrive $0xFFFF  }
0xca: {  	_ =	strace $0x9000004A  }
0xcb: {  	s0 =	stileid.u32;
	[bflag:$0x2] =	sbarrier.arrive $0xFFFF  }
0xcc: {  	p0 =	sne.s32 s0, $0x0;
	s0 =	rddreg [dreg:$0x3]  }
0xcd: {  	s0 =	sadd.s32 @!p0 $0x100000, s0  }
0xce: {  	[sflag:s0] =	ssyncadd.tile.s32 @!p0 $0x1;
	_ =	shalt  }
.Lfunc_end2:
_tile_overlayer_lowered:
.L_overlay_start_2:
0xcf: {  	(tag) =	ssettag $0x2  }
0xd0: {  	s0 =	rddreg [dreg:$0x0];
	s2 =	stileid.u32  }
0xd1: {  	s1 =	rddreg [dreg:$0x1];
	p0 =	sne.s32 s2, $0x0  }
0xd2: {  	s3 =	rddreg [dreg:$0x2];
	[bflag:$0x3] =	sbarrier.arrive $0xFFFF;
	s2 =	simm.s32 @!p0 $0x1C03  }
0xd3: {  	[timem:s3], [sflag:s2] =	dma.local @!p0 [hbm:s0], s1  }
0xd4: {  	s0 =	simm.s32 @!p0 $0x3  }
0xd5: {  	_ =	swait.ge @!p0 [sflag:s0], s1  }
0xd6: {  	s1 =	ssub.s32 @!p0 $0x0, s1;
	[sflag:s0] =	ssyncset.done @!p0 $0x0  }
0xd7: {  	[sflag:s0] =	ssyncadd.s32 @!p0 s1  }
0xd8: {  	[bflag:$0x3] =	sbarrier.arrive $0xFFFF  }
0xd9: {  	_ =	shalt  }

</sc_bundles>
